<compile_context>
chip_gen: v7x
topology: tpu7x:2x2x1
jax: 0.10.2.dev20260603
libtpu: 0.0.44.dev20260713+nightly
codegen_flags: <defaults>
</compile_context>

<pallas_src>
import functools

import jax
import jax.numpy as jnp
from jax import lax
from jax.experimental import pallas as pl
from jax.experimental.pallas import tpu as pltpu
from jax.experimental.pallas import tpu_sc as plsc

_VOCAB = 100000
_MAX_POS = 2048
_HIDDEN = 1024
_BATCH = 4
_SEQ = 2048
_EPS = 1e-06

_NC = 2
_NS = 16
_NW = _NC * _NS
_K = 2
_SK = _SEQ // _K
_CB = _BATCH * _SK
_BPW = _CB // _NW
_CH = 32
_NCHUNK = _BPW // _CH

_mesh = plsc.VectorSubcoreMesh(core_axis_name="c", subcore_axis_name="s")


@functools.partial(
    pl.kernel,
    mesh=_mesh,
    out_type=jax.ShapeDtypeStruct((_CB, _HIDDEN), jnp.float32),
    scratch_types=[
        pltpu.VMEM((_NCHUNK, _CH), jnp.int32),
        pltpu.VMEM((_CH, _HIDDEN), jnp.float32),
        pltpu.VMEM((_CH, _HIDDEN), jnp.float32),
        pltpu.SemaphoreType.DMA,
        pltpu.SemaphoreType.DMA,
        pltpu.SemaphoreType.DMA,
        pltpu.SemaphoreType.DMA,
    ],
)
def _sc_gather(idx_hbm, table_hbm, out_hbm,
               idx_v, buf0, buf1, g0, g1, o0, o1):
    wid = lax.axis_index("s") * _NC + lax.axis_index("c")
    base = wid * _BPW
    for c in range(_NCHUNK):
        pltpu.sync_copy(idx_hbm.at[pl.ds(base + c * _CH, _CH)],
                        idx_v.at[c])
    bufs = (buf0, buf1)
    gsems = (g0, g1)
    osems = (o0, o1)
    gathers = [None] * _NCHUNK
    outs = [None] * _NCHUNK
    gathers[0] = pltpu.async_copy(
        table_hbm.at[idx_v.at[0]], bufs[0], gsems[0])
    for c in range(_NCHUNK):
        b = c % 2
        nb = (c + 1) % 2
        if c + 1 < _NCHUNK:
            if c >= 1:
                outs[c - 1].wait()
            gathers[c + 1] = pltpu.async_copy(
                table_hbm.at[idx_v.at[c + 1]], bufs[nb], gsems[nb])
        gathers[c].wait()
        outs[c] = pltpu.async_copy(
            bufs[b], out_hbm.at[pl.ds(base + c * _CH, _CH)], osems[b])
    if _NCHUNK >= 2:
        outs[_NCHUNK - 2].wait()
    outs[_NCHUNK - 1].wait()


def _ln_body_first(x_ref, pos_ref, tok_ref, gamma_ref, beta_ref, out_ref):
    _ln_compute(x_ref, pos_ref, tok_ref, gamma_ref, beta_ref, out_ref)


def _ln_body_chained(x_ref, prev_ref, pos_ref, tok_ref, gamma_ref, beta_ref,
                     out_ref):
    del prev_ref
    _ln_compute(x_ref, pos_ref, tok_ref, gamma_ref, beta_ref, out_ref)


def _ln_compute(x_ref, pos_ref, tok_ref, gamma_ref, beta_ref, out_ref):
    x = x_ref[0] + pos_ref[...] + tok_ref[...]
    mean = jnp.mean(x, axis=-1, keepdims=True)
    xc = x - mean
    var = jnp.mean(xc * xc, axis=-1, keepdims=True)
    out_ref[0] = xc * lax.rsqrt(var + _EPS) * gamma_ref[...] + beta_ref[...]


_LN_ROWS = 1024
_JB = _SK // _LN_ROWS


def _tc_layernorm(k, gathered, prev_out, pos_emb, tok_row, gamma, beta):
    grid = (_JB, _BATCH)
    x_spec = pl.BlockSpec((1, _LN_ROWS, _HIDDEN), lambda j, b: (b, j, 0))
    pos_spec = pl.BlockSpec((_LN_ROWS, _HIDDEN),
                            lambda j, b: (k * _JB + j, 0))
    vec_spec = pl.BlockSpec((1, _HIDDEN), lambda j, b: (0, 0))
    out_spec = pl.BlockSpec((1, _LN_ROWS, _HIDDEN),
                            lambda j, b: (b, k * _JB + j, 0))
    if prev_out is None:
        body, in_specs, aliases = _ln_body_first, [x_spec], {}
        args = (gathered,)
    else:
        body = _ln_body_chained
        in_specs = [x_spec, pl.BlockSpec(memory_space=pl.ANY)]
        aliases = {1: 0}
        args = (gathered, prev_out)
    return pl.pallas_call(
        body,
        grid=grid,
        in_specs=in_specs + [pos_spec, vec_spec, vec_spec, vec_spec],
        out_specs=out_spec,
        out_shape=jax.ShapeDtypeStruct((_BATCH, _SEQ, _HIDDEN), jnp.float32),
        input_output_aliases=aliases,
        compiler_params=pltpu.CompilerParams(
            dimension_semantics=("arbitrary", "arbitrary")),
    )(*args, pos_emb, tok_row, gamma, beta)


def kernel(input_ids, word_emb, pos_emb, tok_emb, ln_gamma, ln_beta):
    ids = (input_ids.astype(jnp.int32)
           .reshape(_BATCH, _K, _SK)
           .transpose(1, 0, 2)
           .reshape(_K, _CB))
    tok = tok_emb[0:1]
    gamma = ln_gamma.reshape(1, _HIDDEN)
    beta = ln_beta.reshape(1, _HIDDEN)
    gathers = [
        _sc_gather(ids[k], word_emb).reshape(_BATCH, _SK, _HIDDEN)
        for k in range(_K)
    ]
    out = None
    for k in range(_K):
        out = _tc_layernorm(k, gathers[k], out, pos_emb, tok, gamma, beta)
    return out

# --- scband reference (transcript-rebuilt; emitter-appended) ---
"""Pipeline reference for scband-bert-embeddings-68023692034702 (READ-ONLY COPY).

The authoritative reference and input builder live on the scoring server;
editing this copy changes nothing except your own understanding.
"""

import jax, jax.numpy as jnp
import numpy as np

VOCAB = 100000
MAX_POS = 2048
HIDDEN = 1024
BATCH = 4
SEQ = 2048
EPS = 1e-06


def setup_inputs(seed: int = 0) -> dict:
    key = jax.random.key(seed)
    k1, k2, k3, k4 = jax.random.split(key, 4)
    input_ids = jax.random.randint(k1, (BATCH, SEQ), 0, VOCAB, dtype=jnp.int64 if jax.config.read('jax_enable_x64') else jnp.int32).astype(jnp.int32)
    word_emb = jax.random.normal(k2, (VOCAB, HIDDEN), dtype=jnp.float32) * 0.02
    # padding_idx=0 row zeroed like torch nn.Embedding(padding_idx=0)
    word_emb = word_emb.at[0].set(0.0)
    pos_emb = jax.random.normal(k3, (MAX_POS, HIDDEN), dtype=jnp.float32) * 0.02
    tok_emb = jax.random.normal(k4, (2, HIDDEN), dtype=jnp.float32) * 0.02
    ln_gamma = jnp.ones((HIDDEN,), dtype=jnp.float32)
    ln_beta = jnp.zeros((HIDDEN,), dtype=jnp.float32)
    return {
        'input_ids': input_ids,
        'word_emb': word_emb,
        'pos_emb': pos_emb,
        'tok_emb': tok_emb,
        'ln_gamma': ln_gamma,
        'ln_beta': ln_beta,
    }


def reference(input_ids, word_emb, pos_emb, tok_emb, ln_gamma, ln_beta):
    seq_length = input_ids.shape[1]
    # token_type_ids default to zeros (buffered in torch module)
    token_type_ids = jnp.zeros_like(input_ids)
    # position_ids default to arange, past_key_values_length=0
    position_ids = jnp.arange(seq_length)
    inputs_embeds = jnp.take(word_emb, input_ids, axis=0)
    token_type_embeddings = jnp.take(tok_emb, token_type_ids, axis=0)
    embeddings = inputs_embeds + token_type_embeddings
    # absolute position embedding
    position_embeddings = jnp.take(pos_emb, position_ids, axis=0)
    embeddings = embeddings + position_embeddings[None, :, :]
    # LayerNorm
    mean = jnp.mean(embeddings, axis=-1, keepdims=True)
    var = jnp.mean(jnp.square(embeddings - mean), axis=-1, keepdims=True)
    normed = (embeddings - mean) / jnp.sqrt(var + EPS)
    out = normed * ln_gamma + ln_beta
    # dropout prob 0.0 -> identity
    return out

if __name__ == "__main__":
    import jax
    _d = setup_inputs()
    print(jax.jit(kernel)(*tuple(_d.values())))

</pallas_src>

<mosaic_0001>
#map = affine_map<(d0, d1) -> (0)>
#map1 = affine_map<(d0, d1) -> (0, 0)>
module attributes {stable_mosaic.version = 14 : i64} {
  func.func @_sc_gather(%arg0: i32, %arg1: i32, %arg2: memref<4096xi32, #tpu.memory_space<hbm>>, %arg3: memref<100000x1024xf32, #tpu.memory_space<hbm>>, %arg4: memref<4096x1024xf32, #tpu.memory_space<hbm>>, %arg5: memref<4x32xi32, #tpu.memory_space<vmem>>, %arg6: memref<32x1024xf32, #tpu.memory_space<vmem>>, %arg7: memref<32x1024xf32, #tpu.memory_space<vmem>>, %arg8: memref<!tpu.dma_semaphore, #tpu.memory_space<semaphore_mem>>, %arg9: memref<!tpu.dma_semaphore, #tpu.memory_space<semaphore_mem>>, %arg10: memref<!tpu.dma_semaphore, #tpu.memory_space<semaphore_mem>>, %arg11: memref<!tpu.dma_semaphore, #tpu.memory_space<semaphore_mem>>) attributes {dimension_semantics = [#tpu.dimension_semantics<core_parallel>, #tpu.dimension_semantics<subcore_parallel>], iteration_bounds = array<i64: 2, 16>, scalar_prefetch = 0 : i64, scratch_operands = 7 : i64, tpu.core_type = #tpu.core_type<sc_vector_subcore>, window_params = [{transform_indices = #map}, {transform_indices = #map1}, {transform_indices = #map1}]} {
    %mul3A = arith.constant 2 : i32
    %mul3A_0 = arith.muli %arg1, %mul3A : i32
    %add3A = arith.addi %mul3A_0, %arg0 : i32
    %mul3A_1 = arith.constant 128 : i32
    %mul3A_2 = arith.muli %add3A, %mul3A_1 : i32
    %add3A_3 = arith.constant 0 : i32
    %add3A_4 = arith.addi %mul3A_2, %add3A_3 : i32
    %run_scoped3A = arith.constant 0 : i32
    "tpu.region"() ({
      %run_scoped3A_108 = tpu.sem_alloc : memref<!tpu.dma_semaphore, #tpu.memory_space<semaphore_mem>>
      %dma_start3A_109 = arith.constant 0 : i32
      %dma_start3A_110 = tpu.memref_slice %arg5[%run_scoped3A, %dma_start3A_109] : memref<4x32xi32, #tpu.memory_space<vmem>> -> memref<1x32xi32, #tpu.memory_space<vmem>>
      %dma_start3A_111 = tpu.memref_squeeze %dma_start3A_110 : memref<1x32xi32, #tpu.memory_space<vmem>> -> memref<32xi32, #tpu.memory_space<vmem>>
      %dma_start3A_112 = tpu.memref_slice %arg2[%add3A_4] : memref<4096xi32, #tpu.memory_space<hbm>> -> memref<32xi32, #tpu.memory_space<hbm>>
      %dma_start3A_113 = arith.constant 0 : i32
      %dma_start3A_114 = tpu.memref_slice %arg5[%run_scoped3A, %dma_start3A_113] : memref<4x32xi32, #tpu.memory_space<vmem>> -> memref<1x32xi32, #tpu.memory_space<vmem>>
      %dma_start3A_115 = tpu.memref_squeeze %dma_start3A_114 : memref<1x32xi32, #tpu.memory_space<vmem>> -> memref<32xi32, #tpu.memory_space<vmem>>
      %dma_start3A_116 = tpu.memref_slice %arg2[%add3A_4] : memref<4096xi32, #tpu.memory_space<hbm>> -> memref<32xi32, #tpu.memory_space<hbm>>
      tpu.enqueue_dma source(%dma_start3A_116 : memref<32xi32, #tpu.memory_space<hbm>>) target(%dma_start3A_115 : memref<32xi32, #tpu.memory_space<vmem>>) target_semaphore(%run_scoped3A_108 : memref<!tpu.dma_semaphore, #tpu.memory_space<semaphore_mem>>)
      %dma_wait3A_117 = arith.constant 0 : i32
      %dma_wait3A_118 = tpu.memref_slice %arg5[%run_scoped3A, %dma_wait3A_117] : memref<4x32xi32, #tpu.memory_space<vmem>> -> memref<1x32xi32, #tpu.memory_space<vmem>>
      %dma_wait3A_119 = tpu.memref_squeeze %dma_wait3A_118 : memref<1x32xi32, #tpu.memory_space<vmem>> -> memref<32xi32, #tpu.memory_space<vmem>>
      %dma_wait3A_120 = tpu.memref_slice %arg2[%add3A_4] : memref<4096xi32, #tpu.memory_space<hbm>> -> memref<32xi32, #tpu.memory_space<hbm>>
      %dma_wait3A_121 = arith.constant 0 : i32
      %dma_wait3A_122 = tpu.memref_slice %arg5[%run_scoped3A, %dma_wait3A_121] : memref<4x32xi32, #tpu.memory_space<vmem>> -> memref<1x32xi32, #tpu.memory_space<vmem>>
      %dma_wait3A_123 = tpu.memref_squeeze %dma_wait3A_122 : memref<1x32xi32, #tpu.memory_space<vmem>> -> memref<32xi32, #tpu.memory_space<vmem>>
      %dma_wait3A_124 = tpu.memref_slice %arg2[%add3A_4] : memref<4096xi32, #tpu.memory_space<hbm>> -> memref<32xi32, #tpu.memory_space<hbm>>
      tpu.wait_dma2 semaphore(%run_scoped3A_108 : memref<!tpu.dma_semaphore, #tpu.memory_space<semaphore_mem>>) src(%dma_wait3A_124 : memref<32xi32, #tpu.memory_space<hbm>>) dst(%dma_wait3A_123 : memref<32xi32, #tpu.memory_space<vmem>>)
      tpu.yield
    }) : () -> ()
    %add3A_5 = arith.constant 32 : i32
    %add3A_6 = arith.addi %mul3A_2, %add3A_5 : i32
    %run_scoped3A_7 = arith.constant 1 : i32
    "tpu.region"() ({
      %run_scoped3A_108 = tpu.sem_alloc : memref<!tpu.dma_semaphore, #tpu.memory_space<semaphore_mem>>
      %dma_start3A_109 = arith.constant 0 : i32
      %dma_start3A_110 = tpu.memref_slice %arg5[%run_scoped3A_7, %dma_start3A_109] : memref<4x32xi32, #tpu.memory_space<vmem>> -> memref<1x32xi32, #tpu.memory_space<vmem>>
      %dma_start3A_111 = tpu.memref_squeeze %dma_start3A_110 : memref<1x32xi32, #tpu.memory_space<vmem>> -> memref<32xi32, #tpu.memory_space<vmem>>
      %dma_start3A_112 = tpu.memref_slice %arg2[%add3A_6] : memref<4096xi32, #tpu.memory_space<hbm>> -> memref<32xi32, #tpu.memory_space<hbm>>
      %dma_start3A_113 = arith.constant 0 : i32
      %dma_start3A_114 = tpu.memref_slice %arg5[%run_scoped3A_7, %dma_start3A_113] : memref<4x32xi32, #tpu.memory_space<vmem>> -> memref<1x32xi32, #tpu.memory_space<vmem>>
      %dma_start3A_115 = tpu.memref_squeeze %dma_start3A_114 : memref<1x32xi32, #tpu.memory_space<vmem>> -> memref<32xi32, #tpu.memory_space<vmem>>
      %dma_start3A_116 = tpu.memref_slice %arg2[%add3A_6] : memref<4096xi32, #tpu.memory_space<hbm>> -> memref<32xi32, #tpu.memory_space<hbm>>
      tpu.enqueue_dma source(%dma_start3A_116 : memref<32xi32, #tpu.memory_space<hbm>>) target(%dma_start3A_115 : memref<32xi32, #tpu.memory_space<vmem>>) target_semaphore(%run_scoped3A_108 : memref<!tpu.dma_semaphore, #tpu.memory_space<semaphore_mem>>)
      %dma_wait3A_117 = arith.constant 0 : i32
      %dma_wait3A_118 = tpu.memref_slice %arg5[%run_scoped3A_7, %dma_wait3A_117] : memref<4x32xi32, #tpu.memory_space<vmem>> -> memref<1x32xi32, #tpu.memory_space<vmem>>
      %dma_wait3A_119 = tpu.memref_squeeze %dma_wait3A_118 : memref<1x32xi32, #tpu.memory_space<vmem>> -> memref<32xi32, #tpu.memory_space<vmem>>
      %dma_wait3A_120 = tpu.memref_slice %arg2[%add3A_6] : memref<4096xi32, #tpu.memory_space<hbm>> -> memref<32xi32, #tpu.memory_space<hbm>>
      %dma_wait3A_121 = arith.constant 0 : i32
      %dma_wait3A_122 = tpu.memref_slice %arg5[%run_scoped3A_7, %dma_wait3A_121] : memref<4x32xi32, #tpu.memory_space<vmem>> -> memref<1x32xi32, #tpu.memory_space<vmem>>
      %dma_wait3A_123 = tpu.memref_squeeze %dma_wait3A_122 : memref<1x32xi32, #tpu.memory_space<vmem>> -> memref<32xi32, #tpu.memory_space<vmem>>
      %dma_wait3A_124 = tpu.memref_slice %arg2[%add3A_6] : memref<4096xi32, #tpu.memory_space<hbm>> -> memref<32xi32, #tpu.memory_space<hbm>>
      tpu.wait_dma2 semaphore(%run_scoped3A_108 : memref<!tpu.dma_semaphore, #tpu.memory_space<semaphore_mem>>) src(%dma_wait3A_124 : memref<32xi32, #tpu.memory_space<hbm>>) dst(%dma_wait3A_123 : memref<32xi32, #tpu.memory_space<vmem>>)
      tpu.yield
    }) : () -> ()
    %add3A_8 = arith.constant 64 : i32
    %add3A_9 = arith.addi %mul3A_2, %add3A_8 : i32
    %run_scoped3A_10 = arith.constant 2 : i32
    "tpu.region"() ({
      %run_scoped3A_108 = tpu.sem_alloc : memref<!tpu.dma_semaphore, #tpu.memory_space<semaphore_mem>>
      %dma_start3A_109 = arith.constant 0 : i32
      %dma_start3A_110 = tpu.memref_slice %arg5[%run_scoped3A_10, %dma_start3A_109] : memref<4x32xi32, #tpu.memory_space<vmem>> -> memref<1x32xi32, #tpu.memory_space<vmem>>
      %dma_start3A_111 = tpu.memref_squeeze %dma_start3A_110 : memref<1x32xi32, #tpu.memory_space<vmem>> -> memref<32xi32, #tpu.memory_space<vmem>>
      %dma_start3A_112 = tpu.memref_slice %arg2[%add3A_9] : memref<4096xi32, #tpu.memory_space<hbm>> -> memref<32xi32, #tpu.memory_space<hbm>>
      %dma_start3A_113 = arith.constant 0 : i32
      %dma_start3A_114 = tpu.memref_slice %arg5[%run_scoped3A_10, %dma_start3A_113] : memref<4x32xi32, #tpu.memory_space<vmem>> -> memref<1x32xi32, #tpu.memory_space<vmem>>
      %dma_start3A_115 = tpu.memref_squeeze %dma_start3A_114 : memref<1x32xi32, #tpu.memory_space<vmem>> -> memref<32xi32, #tpu.memory_space<vmem>>
      %dma_start3A_116 = tpu.memref_slice %arg2[%add3A_9] : memref<4096xi32, #tpu.memory_space<hbm>> -> memref<32xi32, #tpu.memory_space<hbm>>
      tpu.enqueue_dma source(%dma_start3A_116 : memref<32xi32, #tpu.memory_space<hbm>>) target(%dma_start3A_115 : memref<32xi32, #tpu.memory_space<vmem>>) target_semaphore(%run_scoped3A_108 : memref<!tpu.dma_semaphore, #tpu.memory_space<semaphore_mem>>)
      %dma_wait3A_117 = arith.constant 0 : i32
      %dma_wait3A_118 = tpu.memref_slice %arg5[%run_scoped3A_10, %dma_wait3A_117] : memref<4x32xi32, #tpu.memory_space<vmem>> -> memref<1x32xi32, #tpu.memory_space<vmem>>
      %dma_wait3A_119 = tpu.memref_squeeze %dma_wait3A_118 : memref<1x32xi32, #tpu.memory_space<vmem>> -> memref<32xi32, #tpu.memory_space<vmem>>
      %dma_wait3A_120 = tpu.memref_slice %arg2[%add3A_9] : memref<4096xi32, #tpu.memory_space<hbm>> -> memref<32xi32, #tpu.memory_space<hbm>>
      %dma_wait3A_121 = arith.constant 0 : i32
      %dma_wait3A_122 = tpu.memref_slice %arg5[%run_scoped3A_10, %dma_wait3A_121] : memref<4x32xi32, #tpu.memory_space<vmem>> -> memref<1x32xi32, #tpu.memory_space<vmem>>
      %dma_wait3A_123 = tpu.memref_squeeze %dma_wait3A_122 : memref<1x32xi32, #tpu.memory_space<vmem>> -> memref<32xi32, #tpu.memory_space<vmem>>
      %dma_wait3A_124 = tpu.memref_slice %arg2[%add3A_9] : memref<4096xi32, #tpu.memory_space<hbm>> -> memref<32xi32, #tpu.memory_space<hbm>>
      tpu.wait_dma2 semaphore(%run_scoped3A_108 : memref<!tpu.dma_semaphore, #tpu.memory_space<semaphore_mem>>) src(%dma_wait3A_124 : memref<32xi32, #tpu.memory_space<hbm>>) dst(%dma_wait3A_123 : memref<32xi32, #tpu.memory_space<vmem>>)
      tpu.yield
    }) : () -> ()
    %add3A_11 = arith.constant 96 : i32
    %add3A_12 = arith.addi %mul3A_2, %add3A_11 : i32
    %run_scoped3A_13 = arith.constant 3 : i32
    "tpu.region"() ({
      %run_scoped3A_108 = tpu.sem_alloc : memref<!tpu.dma_semaphore, #tpu.memory_space<semaphore_mem>>
      %dma_start3A_109 = arith.constant 0 : i32
      %dma_start3A_110 = tpu.memref_slice %arg5[%run_scoped3A_13, %dma_start3A_109] : memref<4x32xi32, #tpu.memory_space<vmem>> -> memref<1x32xi32, #tpu.memory_space<vmem>>
      %dma_start3A_111 = tpu.memref_squeeze %dma_start3A_110 : memref<1x32xi32, #tpu.memory_space<vmem>> -> memref<32xi32, #tpu.memory_space<vmem>>
      %dma_start3A_112 = tpu.memref_slice %arg2[%add3A_12] : memref<4096xi32, #tpu.memory_space<hbm>> -> memref<32xi32, #tpu.memory_space<hbm>>
      %dma_start3A_113 = arith.constant 0 : i32
      %dma_start3A_114 = tpu.memref_slice %arg5[%run_scoped3A_13, %dma_start3A_113] : memref<4x32xi32, #tpu.memory_space<vmem>> -> memref<1x32xi32, #tpu.memory_space<vmem>>
      %dma_start3A_115 = tpu.memref_squeeze %dma_start3A_114 : memref<1x32xi32, #tpu.memory_space<vmem>> -> memref<32xi32, #tpu.memory_space<vmem>>
      %dma_start3A_116 = tpu.memref_slice %arg2[%add3A_12] : memref<4096xi32, #tpu.memory_space<hbm>> -> memref<32xi32, #tpu.memory_space<hbm>>
      tpu.enqueue_dma source(%dma_start3A_116 : memref<32xi32, #tpu.memory_space<hbm>>) target(%dma_start3A_115 : memref<32xi32, #tpu.memory_space<vmem>>) target_semaphore(%run_scoped3A_108 : memref<!tpu.dma_semaphore, #tpu.memory_space<semaphore_mem>>)
      %dma_wait3A_117 = arith.constant 0 : i32
      %dma_wait3A_118 = tpu.memref_slice %arg5[%run_scoped3A_13, %dma_wait3A_117] : memref<4x32xi32, #tpu.memory_space<vmem>> -> memref<1x32xi32, #tpu.memory_space<vmem>>
      %dma_wait3A_119 = tpu.memref_squeeze %dma_wait3A_118 : memref<1x32xi32, #tpu.memory_space<vmem>> -> memref<32xi32, #tpu.memory_space<vmem>>
      %dma_wait3A_120 = tpu.memref_slice %arg2[%add3A_12] : memref<4096xi32, #tpu.memory_space<hbm>> -> memref<32xi32, #tpu.memory_space<hbm>>
      %dma_wait3A_121 = arith.constant 0 : i32
      %dma_wait3A_122 = tpu.memref_slice %arg5[%run_scoped3A_13, %dma_wait3A_121] : memref<4x32xi32, #tpu.memory_space<vmem>> -> memref<1x32xi32, #tpu.memory_space<vmem>>
      %dma_wait3A_123 = tpu.memref_squeeze %dma_wait3A_122 : memref<1x32xi32, #tpu.memory_space<vmem>> -> memref<32xi32, #tpu.memory_space<vmem>>
      %dma_wait3A_124 = tpu.memref_slice %arg2[%add3A_12] : memref<4096xi32, #tpu.memory_space<hbm>> -> memref<32xi32, #tpu.memory_space<hbm>>
      tpu.wait_dma2 semaphore(%run_scoped3A_108 : memref<!tpu.dma_semaphore, #tpu.memory_space<semaphore_mem>>) src(%dma_wait3A_124 : memref<32xi32, #tpu.memory_space<hbm>>) dst(%dma_wait3A_123 : memref<32xi32, #tpu.memory_space<vmem>>)
      tpu.yield
    }) : () -> ()
    %dma_start3A = arith.constant 0 : i32
    %dma_start3A_14 = arith.constant 0 : i32
    %dma_start3A_15 = tpu.memref_slice %arg5[%dma_start3A, %dma_start3A_14] : memref<4x32xi32, #tpu.memory_space<vmem>> -> memref<1x32xi32, #tpu.memory_space<vmem>>
    %dma_start3A_16 = tpu.memref_squeeze %dma_start3A_15 : memref<1x32xi32, #tpu.memory_space<vmem>> -> memref<32xi32, #tpu.memory_space<vmem>>
    %dma_start3A_17 = arith.constant 0 : i32
    %dma_start3A_18 = arith.constant 0 : i32
    %dma_start3A_19 = tpu.memref_slice %arg3[%dma_start3A_17, %dma_start3A_18] : memref<100000x1024xf32, #tpu.memory_space<hbm>> -> memref<100000x1024xf32, #tpu.memory_space<hbm>>
    tpu.enqueue_indirect_dma source(%dma_start3A_19 : memref<100000x1024xf32, #tpu.memory_space<hbm>>) target(%arg6 : memref<32x1024xf32, #tpu.memory_space<vmem>>) offsets(%dma_start3A_16 : memref<32xi32, #tpu.memory_space<vmem>>) semaphore(%arg8 : memref<!tpu.dma_semaphore, #tpu.memory_space<semaphore_mem>>)
    %dma_start3A_20 = arith.constant 1 : i32
    %dma_start3A_21 = arith.constant 0 : i32
    %dma_start3A_22 = tpu.memref_slice %arg5[%dma_start3A_20, %dma_start3A_21] : memref<4x32xi32, #tpu.memory_space<vmem>> -> memref<1x32xi32, #tpu.memory_space<vmem>>
    %dma_start3A_23 = tpu.memref_squeeze %dma_start3A_22 : memref<1x32xi32, #tpu.memory_space<vmem>> -> memref<32xi32, #tpu.memory_space<vmem>>
    %dma_start3A_24 = arith.constant 0 : i32
    %dma_start3A_25 = arith.constant 0 : i32
    %dma_start3A_26 = tpu.memref_slice %arg3[%dma_start3A_24, %dma_start3A_25] : memref<100000x1024xf32, #tpu.memory_space<hbm>> -> memref<100000x1024xf32, #tpu.memory_space<hbm>>
    tpu.enqueue_indirect_dma source(%dma_start3A_26 : memref<100000x1024xf32, #tpu.memory_space<hbm>>) target(%arg7 : memref<32x1024xf32, #tpu.memory_space<vmem>>) offsets(%dma_start3A_23 : memref<32xi32, #tpu.memory_space<vmem>>) semaphore(%arg9 : memref<!tpu.dma_semaphore, #tpu.memory_space<semaphore_mem>>)
    %dma_wait3A = arith.constant 0 : i32
    %dma_wait3A_27 = arith.constant 0 : i32
    %dma_wait3A_28 = tpu.memref_slice %arg5[%dma_wait3A, %dma_wait3A_27] : memref<4x32xi32, #tpu.memory_space<vmem>> -> memref<1x32xi32, #tpu.memory_space<vmem>>
    %dma_wait3A_29 = tpu.memref_squeeze %dma_wait3A_28 : memref<1x32xi32, #tpu.memory_space<vmem>> -> memref<32xi32, #tpu.memory_space<vmem>>
    %dma_wait3A_30 = arith.constant 0 : i32
    %dma_wait3A_31 = arith.constant 0 : i32
    %dma_wait3A_32 = tpu.memref_slice %arg3[%dma_wait3A_30, %dma_wait3A_31] : memref<100000x1024xf32, #tpu.memory_space<hbm>> -> memref<100000x1024xf32, #tpu.memory_space<hbm>>
    tpu.wait_indirect_dma semaphore(%arg8 : memref<!tpu.dma_semaphore, #tpu.memory_space<semaphore_mem>>) src(%dma_wait3A_32 : memref<100000x1024xf32, #tpu.memory_space<hbm>>) dst(%arg6 : memref<32x1024xf32, #tpu.memory_space<vmem>>)
    %add3A_33 = arith.constant 0 : i32
    %add3A_34 = arith.addi %mul3A_2, %add3A_33 : i32
    %dma_start3A_35 = arith.constant 0 : i32
    %dma_start3A_36 = tpu.memref_slice %arg4[%add3A_34, %dma_start3A_35] : memref<4096x1024xf32, #tpu.memory_space<hbm>> -> memref<32x1024xf32, #tpu.memory_space<hbm>>
    %dma_start3A_37 = arith.constant 0 : i32
    %dma_start3A_38 = tpu.memref_slice %arg4[%add3A_34, %dma_start3A_37] : memref<4096x1024xf32, #tpu.memory_space<hbm>> -> memref<32x1024xf32, #tpu.memory_space<hbm>>
    tpu.enqueue_dma source(%arg6 : memref<32x1024xf32, #tpu.memory_space<vmem>>) target(%dma_start3A_38 : memref<32x1024xf32, #tpu.memory_space<hbm>>) target_semaphore(%arg10 : memref<!tpu.dma_semaphore, #tpu.memory_space<semaphore_mem>>)
    %dma_wait3A_39 = arith.constant 0 : i32
    %dma_wait3A_40 = tpu.memref_slice %arg4[%add3A_34, %dma_wait3A_39] : memref<4096x1024xf32, #tpu.memory_space<hbm>> -> memref<32x1024xf32, #tpu.memory_space<hbm>>
    %dma_wait3A_41 = arith.constant 0 : i32
    %dma_wait3A_42 = tpu.memref_slice %arg4[%add3A_34, %dma_wait3A_41] : memref<4096x1024xf32, #tpu.memory_space<hbm>> -> memref<32x1024xf32, #tpu.memory_space<hbm>>
    tpu.wait_dma2 semaphore(%arg10 : memref<!tpu.dma_semaphore, #tpu.memory_space<semaphore_mem>>) src(%arg6 : memref<32x1024xf32, #tpu.memory_space<vmem>>) dst(%dma_wait3A_42 : memref<32x1024xf32, #tpu.memory_space<hbm>>)
    %dma_start3A_43 = arith.constant 2 : i32
    %dma_start3A_44 = arith.constant 0 : i32
    %dma_start3A_45 = tpu.memref_slice %arg5[%dma_start3A_43, %dma_start3A_44] : memref<4x32xi32, #tpu.memory_space<vmem>> -> memref<1x32xi32, #tpu.memory_space<vmem>>
    %dma_start3A_46 = tpu.memref_squeeze %dma_start3A_45 : memref<1x32xi32, #tpu.memory_space<vmem>> -> memref<32xi32, #tpu.memory_space<vmem>>
    %dma_start3A_47 = arith.constant 0 : i32
    %dma_start3A_48 = arith.constant 0 : i32
    %dma_start3A_49 = tpu.memref_slice %arg3[%dma_start3A_47, %dma_start3A_48] : memref<100000x1024xf32, #tpu.memory_space<hbm>> -> memref<100000x1024xf32, #tpu.memory_space<hbm>>
    tpu.enqueue_indirect_dma source(%dma_start3A_49 : memref<100000x1024xf32, #tpu.memory_space<hbm>>) target(%arg6 : memref<32x1024xf32, #tpu.memory_space<vmem>>) offsets(%dma_start3A_46 : memref<32xi32, #tpu.memory_space<vmem>>) semaphore(%arg8 : memref<!tpu.dma_semaphore, #tpu.memory_space<semaphore_mem>>)
    %dma_wait3A_50 = arith.constant 1 : i32
    %dma_wait3A_51 = arith.constant 0 : i32
    %dma_wait3A_52 = tpu.memref_slice %arg5[%dma_wait3A_50, %dma_wait3A_51] : memref<4x32xi32, #tpu.memory_space<vmem>> -> memref<1x32xi32, #tpu.memory_space<vmem>>
    %dma_wait3A_53 = tpu.memref_squeeze %dma_wait3A_52 : memref<1x32xi32, #tpu.memory_space<vmem>> -> memref<32xi32, #tpu.memory_space<vmem>>
    %dma_wait3A_54 = arith.constant 0 : i32
    %dma_wait3A_55 = arith.constant 0 : i32
    %dma_wait3A_56 = tpu.memref_slice %arg3[%dma_wait3A_54, %dma_wait3A_55] : memref<100000x1024xf32, #tpu.memory_space<hbm>> -> memref<100000x1024xf32, #tpu.memory_space<hbm>>
    tpu.wait_indirect_dma semaphore(%arg9 : memref<!tpu.dma_semaphore, #tpu.memory_space<semaphore_mem>>) src(%dma_wait3A_56 : memref<100000x1024xf32, #tpu.memory_space<hbm>>) dst(%arg7 : memref<32x1024xf32, #tpu.memory_space<vmem>>)
    %add3A_57 = arith.constant 32 : i32
    %add3A_58 = arith.addi %mul3A_2, %add3A_57 : i32
    %dma_start3A_59 = arith.constant 0 : i32
    %dma_start3A_60 = tpu.memref_slice %arg4[%add3A_58, %dma_start3A_59] : memref<4096x1024xf32, #tpu.memory_space<hbm>> -> memref<32x1024xf32, #tpu.memory_space<hbm>>
    %dma_start3A_61 = arith.constant 0 : i32
    %dma_start3A_62 = tpu.memref_slice %arg4[%add3A_58, %dma_start3A_61] : memref<4096x1024xf32, #tpu.memory_space<hbm>> -> memref<32x1024xf32, #tpu.memory_space<hbm>>
    tpu.enqueue_dma source(%arg7 : memref<32x1024xf32, #tpu.memory_space<vmem>>) target(%dma_start3A_62 : memref<32x1024xf32, #tpu.memory_space<hbm>>) target_semaphore(%arg11 : memref<!tpu.dma_semaphore, #tpu.memory_space<semaphore_mem>>)
    %dma_wait3A_63 = arith.constant 0 : i32
    %dma_wait3A_64 = tpu.memref_slice %arg4[%add3A_58, %dma_wait3A_63] : memref<4096x1024xf32, #tpu.memory_space<hbm>> -> memref<32x1024xf32, #tpu.memory_space<hbm>>
    %dma_wait3A_65 = arith.constant 0 : i32
    %dma_wait3A_66 = tpu.memref_slice %arg4[%add3A_58, %dma_wait3A_65] : memref<4096x1024xf32, #tpu.memory_space<hbm>> -> memref<32x1024xf32, #tpu.memory_space<hbm>>
    tpu.wait_dma2 semaphore(%arg11 : memref<!tpu.dma_semaphore, #tpu.memory_space<semaphore_mem>>) src(%arg7 : memref<32x1024xf32, #tpu.memory_space<vmem>>) dst(%dma_wait3A_66 : memref<32x1024xf32, #tpu.memory_space<hbm>>)
    %dma_start3A_67 = arith.constant 3 : i32
    %dma_start3A_68 = arith.constant 0 : i32
    %dma_start3A_69 = tpu.memref_slice %arg5[%dma_start3A_67, %dma_start3A_68] : memref<4x32xi32, #tpu.memory_space<vmem>> -> memref<1x32xi32, #tpu.memory_space<vmem>>
    %dma_start3A_70 = tpu.memref_squeeze %dma_start3A_69 : memref<1x32xi32, #tpu.memory_space<vmem>> -> memref<32xi32, #tpu.memory_space<vmem>>
    %dma_start3A_71 = arith.constant 0 : i32
    %dma_start3A_72 = arith.constant 0 : i32
    %dma_start3A_73 = tpu.memref_slice %arg3[%dma_start3A_71, %dma_start3A_72] : memref<100000x1024xf32, #tpu.memory_space<hbm>> -> memref<100000x1024xf32, #tpu.memory_space<hbm>>
    tpu.enqueue_indirect_dma source(%dma_start3A_73 : memref<100000x1024xf32, #tpu.memory_space<hbm>>) target(%arg7 : memref<32x1024xf32, #tpu.memory_space<vmem>>) offsets(%dma_start3A_70 : memref<32xi32, #tpu.memory_space<vmem>>) semaphore(%arg9 : memref<!tpu.dma_semaphore, #tpu.memory_space<semaphore_mem>>)
    %dma_wait3A_74 = arith.constant 2 : i32
    %dma_wait3A_75 = arith.constant 0 : i32
    %dma_wait3A_76 = tpu.memref_slice %arg5[%dma_wait3A_74, %dma_wait3A_75] : memref<4x32xi32, #tpu.memory_space<vmem>> -> memref<1x32xi32, #tpu.memory_space<vmem>>
    %dma_wait3A_77 = tpu.memref_squeeze %dma_wait3A_76 : memref<1x32xi32, #tpu.memory_space<vmem>> -> memref<32xi32, #tpu.memory_space<vmem>>
    %dma_wait3A_78 = arith.constant 0 : i32
    %dma_wait3A_79 = arith.constant 0 : i32
    %dma_wait3A_80 = tpu.memref_slice %arg3[%dma_wait3A_78, %dma_wait3A_79] : memref<100000x1024xf32, #tpu.memory_space<hbm>> -> memref<100000x1024xf32, #tpu.memory_space<hbm>>
    tpu.wait_indirect_dma semaphore(%arg8 : memref<!tpu.dma_semaphore, #tpu.memory_space<semaphore_mem>>) src(%dma_wait3A_80 : memref<100000x1024xf32, #tpu.memory_space<hbm>>) dst(%arg6 : memref<32x1024xf32, #tpu.memory_space<vmem>>)
    %add3A_81 = arith.constant 64 : i32
    %add3A_82 = arith.addi %mul3A_2, %add3A_81 : i32
    %dma_start3A_83 = arith.constant 0 : i32
    %dma_start3A_84 = tpu.memref_slice %arg4[%add3A_82, %dma_start3A_83] : memref<4096x1024xf32, #tpu.memory_space<hbm>> -> memref<32x1024xf32, #tpu.memory_space<hbm>>
    %dma_start3A_85 = arith.constant 0 : i32
    %dma_start3A_86 = tpu.memref_slice %arg4[%add3A_82, %dma_start3A_85] : memref<4096x1024xf32, #tpu.memory_space<hbm>> -> memref<32x1024xf32, #tpu.memory_space<hbm>>
    tpu.enqueue_dma source(%arg6 : memref<32x1024xf32, #tpu.memory_space<vmem>>) target(%dma_start3A_86 : memref<32x1024xf32, #tpu.memory_space<hbm>>) target_semaphore(%arg10 : memref<!tpu.dma_semaphore, #tpu.memory_space<semaphore_mem>>)
    %dma_wait3A_87 = arith.constant 3 : i32
    %dma_wait3A_88 = arith.constant 0 : i32
    %dma_wait3A_89 = tpu.memref_slice %arg5[%dma_wait3A_87, %dma_wait3A_88] : memref<4x32xi32, #tpu.memory_space<vmem>> -> memref<1x32xi32, #tpu.memory_space<vmem>>
    %dma_wait3A_90 = tpu.memref_squeeze %dma_wait3A_89 : memref<1x32xi32, #tpu.memory_space<vmem>> -> memref<32xi32, #tpu.memory_space<vmem>>
    %dma_wait3A_91 = arith.constant 0 : i32
    %dma_wait3A_92 = arith.constant 0 : i32
    %dma_wait3A_93 = tpu.memref_slice %arg3[%dma_wait3A_91, %dma_wait3A_92] : memref<100000x1024xf32, #tpu.memory_space<hbm>> -> memref<100000x1024xf32, #tpu.memory_space<hbm>>
    tpu.wait_indirect_dma semaphore(%arg9 : memref<!tpu.dma_semaphore, #tpu.memory_space<semaphore_mem>>) src(%dma_wait3A_93 : memref<100000x1024xf32, #tpu.memory_space<hbm>>) dst(%arg7 : memref<32x1024xf32, #tpu.memory_space<vmem>>)
    %add3A_94 = arith.constant 96 : i32
    %add3A_95 = arith.addi %mul3A_2, %add3A_94 : i32
    %dma_start3A_96 = arith.constant 0 : i32
    %dma_start3A_97 = tpu.memref_slice %arg4[%add3A_95, %dma_start3A_96] : memref<4096x1024xf32, #tpu.memory_space<hbm>> -> memref<32x1024xf32, #tpu.memory_space<hbm>>
    %dma_start3A_98 = arith.constant 0 : i32
    %dma_start3A_99 = tpu.memref_slice %arg4[%add3A_95, %dma_start3A_98] : memref<4096x1024xf32, #tpu.memory_space<hbm>> -> memref<32x1024xf32, #tpu.memory_space<hbm>>
    tpu.enqueue_dma source(%arg7 : memref<32x1024xf32, #tpu.memory_space<vmem>>) target(%dma_start3A_99 : memref<32x1024xf32, #tpu.memory_space<hbm>>) target_semaphore(%arg11 : memref<!tpu.dma_semaphore, #tpu.memory_space<semaphore_mem>>)
    %dma_wait3A_100 = arith.constant 0 : i32
    %dma_wait3A_101 = tpu.memref_slice %arg4[%add3A_82, %dma_wait3A_100] : memref<4096x1024xf32, #tpu.memory_space<hbm>> -> memref<32x1024xf32, #tpu.memory_space<hbm>>
    %dma_wait3A_102 = arith.constant 0 : i32
    %dma_wait3A_103 = tpu.memref_slice %arg4[%add3A_82, %dma_wait3A_102] : memref<4096x1024xf32, #tpu.memory_space<hbm>> -> memref<32x1024xf32, #tpu.memory_space<hbm>>
    tpu.wait_dma2 semaphore(%arg10 : memref<!tpu.dma_semaphore, #tpu.memory_space<semaphore_mem>>) src(%arg6 : memref<32x1024xf32, #tpu.memory_space<vmem>>) dst(%dma_wait3A_103 : memref<32x1024xf32, #tpu.memory_space<hbm>>)
    %dma_wait3A_104 = arith.constant 0 : i32
    %dma_wait3A_105 = tpu.memref_slice %arg4[%add3A_95, %dma_wait3A_104] : memref<4096x1024xf32, #tpu.memory_space<hbm>> -> memref<32x1024xf32, #tpu.memory_space<hbm>>
    %dma_wait3A_106 = arith.constant 0 : i32
    %dma_wait3A_107 = tpu.memref_slice %arg4[%add3A_95, %dma_wait3A_106] : memref<4096x1024xf32, #tpu.memory_space<hbm>> -> memref<32x1024xf32, #tpu.memory_space<hbm>>
    tpu.wait_dma2 semaphore(%arg11 : memref<!tpu.dma_semaphore, #tpu.memory_space<semaphore_mem>>) src(%arg7 : memref<32x1024xf32, #tpu.memory_space<vmem>>) dst(%dma_wait3A_107 : memref<32x1024xf32, #tpu.memory_space<hbm>>)
    return
  }
}

#map = affine_map<(d0, d1) -> (0)>
#map1 = affine_map<(d0, d1) -> (0, 0)>
module attributes {stable_mosaic.version = 14 : i64} {
  func.func @_sc_gather(%arg0: i32, %arg1: i32, %arg2: memref<4096xi32, #tpu.memory_space<hbm>>, %arg3: memref<100000x1024xf32, #tpu.memory_space<hbm>>, %arg4: memref<4096x1024xf32, #tpu.memory_space<hbm>>, %arg5: memref<4x32xi32, #tpu.memory_space<vmem>>, %arg6: memref<32x1024xf32, #tpu.memory_space<vmem>>, %arg7: memref<32x1024xf32, #tpu.memory_space<vmem>>, %arg8: memref<!tpu.dma_semaphore, #tpu.memory_space<semaphore_mem>>, %arg9: memref<!tpu.dma_semaphore, #tpu.memory_space<semaphore_mem>>, %arg10: memref<!tpu.dma_semaphore, #tpu.memory_space<semaphore_mem>>, %arg11: memref<!tpu.dma_semaphore, #tpu.memory_space<semaphore_mem>>) attributes {dimension_semantics = [#tpu.dimension_semantics<core_parallel>, #tpu.dimension_semantics<subcore_parallel>], iteration_bounds = array<i64: 2, 16>, scalar_prefetch = 0 : i64, scratch_operands = 7 : i64, tpu.core_type = #tpu.core_type<sc_vector_subcore>, window_params = [{transform_indices = #map}, {transform_indices = #map1}, {transform_indices = #map1}]} {
    %mul3A = arith.constant 2 : i32
    %mul3A_0 = arith.muli %arg1, %mul3A : i32
    %add3A = arith.addi %mul3A_0, %arg0 : i32
    %mul3A_1 = arith.constant 128 : i32
    %mul3A_2 = arith.muli %add3A, %mul3A_1 : i32
    %add3A_3 = arith.constant 0 : i32
    %add3A_4 = arith.addi %mul3A_2, %add3A_3 : i32
    %run_scoped3A = arith.constant 0 : i32
    "tpu.region"() ({
      %run_scoped3A_108 = tpu.sem_alloc : memref<!tpu.dma_semaphore, #tpu.memory_space<semaphore_mem>>
      %dma_start3A_109 = arith.constant 0 : i32
      %dma_start3A_110 = tpu.memref_slice %arg5[%run_scoped3A, %dma_start3A_109] : memref<4x32xi32, #tpu.memory_space<vmem>> -> memref<1x32xi32, #tpu.memory_space<vmem>>
      %dma_start3A_111 = tpu.memref_squeeze %dma_start3A_110 : memref<1x32xi32, #tpu.memory_space<vmem>> -> memref<32xi32, #tpu.memory_space<vmem>>
      %dma_start3A_112 = tpu.memref_slice %arg2[%add3A_4] : memref<4096xi32, #tpu.memory_space<hbm>> -> memref<32xi32, #tpu.memory_space<hbm>>
      %dma_start3A_113 = arith.constant 0 : i32
      %dma_start3A_114 = tpu.memref_slice %arg5[%run_scoped3A, %dma_start3A_113] : memref<4x32xi32, #tpu.memory_space<vmem>> -> memref<1x32xi32, #tpu.memory_space<vmem>>
      %dma_start3A_115 = tpu.memref_squeeze %dma_start3A_114 : memref<1x32xi32, #tpu.memory_space<vmem>> -> memref<32xi32, #tpu.memory_space<vmem>>
      %dma_start3A_116 = tpu.memref_slice %arg2[%add3A_4] : memref<4096xi32, #tpu.memory_space<hbm>> -> memref<32xi32, #tpu.memory_space<hbm>>
      tpu.enqueue_dma source(%dma_start3A_116 : memref<32xi32, #tpu.memory_space<hbm>>) target(%dma_start3A_115 : memref<32xi32, #tpu.memory_space<vmem>>) target_semaphore(%run_scoped3A_108 : memref<!tpu.dma_semaphore, #tpu.memory_space<semaphore_mem>>)
      %dma_wait3A_117 = arith.constant 0 : i32
      %dma_wait3A_118 = tpu.memref_slice %arg5[%run_scoped3A, %dma_wait3A_117] : memref<4x32xi32, #tpu.memory_space<vmem>> -> memref<1x32xi32, #tpu.memory_space<vmem>>
      %dma_wait3A_119 = tpu.memref_squeeze %dma_wait3A_118 : memref<1x32xi32, #tpu.memory_space<vmem>> -> memref<32xi32, #tpu.memory_space<vmem>>
      %dma_wait3A_120 = tpu.memref_slice %arg2[%add3A_4] : memref<4096xi32, #tpu.memory_space<hbm>> -> memref<32xi32, #tpu.memory_space<hbm>>
      %dma_wait3A_121 = arith.constant 0 : i32
      %dma_wait3A_122 = tpu.memref_slice %arg5[%run_scoped3A, %dma_wait3A_121] : memref<4x32xi32, #tpu.memory_space<vmem>> -> memref<1x32xi32, #tpu.memory_space<vmem>>
      %dma_wait3A_123 = tpu.memref_squeeze %dma_wait3A_122 : memref<1x32xi32, #tpu.memory_space<vmem>> -> memref<32xi32, #tpu.memory_space<vmem>>
      %dma_wait3A_124 = tpu.memref_slice %arg2[%add3A_4] : memref<4096xi32, #tpu.memory_space<hbm>> -> memref<32xi32, #tpu.memory_space<hbm>>
      tpu.wait_dma2 semaphore(%run_scoped3A_108 : memref<!tpu.dma_semaphore, #tpu.memory_space<semaphore_mem>>) src(%dma_wait3A_124 : memref<32xi32, #tpu.memory_space<hbm>>) dst(%dma_wait3A_123 : memref<32xi32, #tpu.memory_space<vmem>>)
      tpu.yield
    }) : () -> ()
    %add3A_5 = arith.constant 32 : i32
    %add3A_6 = arith.addi %mul3A_2, %add3A_5 : i32
    %run_scoped3A_7 = arith.constant 1 : i32
    "tpu.region"() ({
      %run_scoped3A_108 = tpu.sem_alloc : memref<!tpu.dma_semaphore, #tpu.memory_space<semaphore_mem>>
      %dma_start3A_109 = arith.constant 0 : i32
      %dma_start3A_110 = tpu.memref_slice %arg5[%run_scoped3A_7, %dma_start3A_109] : memref<4x32xi32, #tpu.memory_space<vmem>> -> memref<1x32xi32, #tpu.memory_space<vmem>>
      %dma_start3A_111 = tpu.memref_squeeze %dma_start3A_110 : memref<1x32xi32, #tpu.memory_space<vmem>> -> memref<32xi32, #tpu.memory_space<vmem>>
      %dma_start3A_112 = tpu.memref_slice %arg2[%add3A_6] : memref<4096xi32, #tpu.memory_space<hbm>> -> memref<32xi32, #tpu.memory_space<hbm>>
      %dma_start3A_113 = arith.constant 0 : i32
      %dma_start3A_114 = tpu.memref_slice %arg5[%run_scoped3A_7, %dma_start3A_113] : memref<4x32xi32, #tpu.memory_space<vmem>> -> memref<1x32xi32, #tpu.memory_space<vmem>>
      %dma_start3A_115 = tpu.memref_squeeze %dma_start3A_114 : memref<1x32xi32, #tpu.memory_space<vmem>> -> memref<32xi32, #tpu.memory_space<vmem>>
      %dma_start3A_116 = tpu.memref_slice %arg2[%add3A_6] : memref<4096xi32, #tpu.memory_space<hbm>> -> memref<32xi32, #tpu.memory_space<hbm>>
      tpu.enqueue_dma source(%dma_start3A_116 : memref<32xi32, #tpu.memory_space<hbm>>) target(%dma_start3A_115 : memref<32xi32, #tpu.memory_space<vmem>>) target_semaphore(%run_scoped3A_108 : memref<!tpu.dma_semaphore, #tpu.memory_space<semaphore_mem>>)
      %dma_wait3A_117 = arith.constant 0 : i32
      %dma_wait3A_118 = tpu.memref_slice %arg5[%run_scoped3A_7, %dma_wait3A_117] : memref<4x32xi32, #tpu.memory_space<vmem>> -> memref<1x32xi32, #tpu.memory_space<vmem>>
      %dma_wait3A_119 = tpu.memref_squeeze %dma_wait3A_118 : memref<1x32xi32, #tpu.memory_space<vmem>> -> memref<32xi32, #tpu.memory_space<vmem>>
      %dma_wait3A_120 = tpu.memref_slice %arg2[%add3A_6] : memref<4096xi32, #tpu.memory_space<hbm>> -> memref<32xi32, #tpu.memory_space<hbm>>
      %dma_wait3A_121 = arith.constant 0 : i32
      %dma_wait3A_122 = tpu.memref_slice %arg5[%run_scoped3A_7, %dma_wait3A_121] : memref<4x32xi32, #tpu.memory_space<vmem>> -> memref<1x32xi32, #tpu.memory_space<vmem>>
      %dma_wait3A_123 = tpu.memref_squeeze %dma_wait3A_122 : memref<1x32xi32, #tpu.memory_space<vmem>> -> memref<32xi32, #tpu.memory_space<vmem>>
      %dma_wait3A_124 = tpu.memref_slice %arg2[%add3A_6] : memref<4096xi32, #tpu.memory_space<hbm>> -> memref<32xi32, #tpu.memory_space<hbm>>
      tpu.wait_dma2 semaphore(%run_scoped3A_108 : memref<!tpu.dma_semaphore, #tpu.memory_space<semaphore_mem>>) src(%dma_wait3A_124 : memref<32xi32, #tpu.memory_space<hbm>>) dst(%dma_wait3A_123 : memref<32xi32, #tpu.memory_space<vmem>>)
      tpu.yield
    }) : () -> ()
    %add3A_8 = arith.constant 64 : i32
    %add3A_9 = arith.addi %mul3A_2, %add3A_8 : i32
    %run_scoped3A_10 = arith.constant 2 : i32
    "tpu.region"() ({
      %run_scoped3A_108 = tpu.sem_alloc : memref<!tpu.dma_semaphore, #tpu.memory_space<semaphore_mem>>
      %dma_start3A_109 = arith.constant 0 : i32
      %dma_start3A_110 = tpu.memref_slice %arg5[%run_scoped3A_10, %dma_start3A_109] : memref<4x32xi32, #tpu.memory_space<vmem>> -> memref<1x32xi32, #tpu.memory_space<vmem>>
      %dma_start3A_111 = tpu.memref_squeeze %dma_start3A_110 : memref<1x32xi32, #tpu.memory_space<vmem>> -> memref<32xi32, #tpu.memory_space<vmem>>
      %dma_start3A_112 = tpu.memref_slice %arg2[%add3A_9] : memref<4096xi32, #tpu.memory_space<hbm>> -> memref<32xi32, #tpu.memory_space<hbm>>
      %dma_start3A_113 = arith.constant 0 : i32
      %dma_start3A_114 = tpu.memref_slice %arg5[%run_scoped3A_10, %dma_start3A_113] : memref<4x32xi32, #tpu.memory_space<vmem>> -> memref<1x32xi32, #tpu.memory_space<vmem>>
      %dma_start3A_115 = tpu.memref_squeeze %dma_start3A_114 : memref<1x32xi32, #tpu.memory_space<vmem>> -> memref<32xi32, #tpu.memory_space<vmem>>
      %dma_start3A_116 = tpu.memref_slice %arg2[%add3A_9] : memref<4096xi32, #tpu.memory_space<hbm>> -> memref<32xi32, #tpu.memory_space<hbm>>
      tpu.enqueue_dma source(%dma_start3A_116 : memref<32xi32, #tpu.memory_space<hbm>>) target(%dma_start3A_115 : memref<32xi32, #tpu.memory_space<vmem>>) target_semaphore(%run_scoped3A_108 : memref<!tpu.dma_semaphore, #tpu.memory_space<semaphore_mem>>)
      %dma_wait3A_117 = arith.constant 0 : i32
      %dma_wait3A_118 = tpu.memref_slice %arg5[%run_scoped3A_10, %dma_wait3A_117] : memref<4x32xi32, #tpu.memory_space<vmem>> -> memref<1x32xi32, #tpu.memory_space<vmem>>
      %dma_wait3A_119 = tpu.memref_squeeze %dma_wait3A_118 : memref<1x32xi32, #tpu.memory_space<vmem>> -> memref<32xi32, #tpu.memory_space<vmem>>
      %dma_wait3A_120 = tpu.memref_slice %arg2[%add3A_9] : memref<4096xi32, #tpu.memory_space<hbm>> -> memref<32xi32, #tpu.memory_space<hbm>>
      %dma_wait3A_121 = arith.constant 0 : i32
      %dma_wait3A_122 = tpu.memref_slice %arg5[%run_scoped3A_10, %dma_wait3A_121] : memref<4x32xi32, #tpu.memory_space<vmem>> -> memref<1x32xi32, #tpu.memory_space<vmem>>
      %dma_wait3A_123 = tpu.memref_squeeze %dma_wait3A_122 : memref<1x32xi32, #tpu.memory_space<vmem>> -> memref<32xi32, #tpu.memory_space<vmem>>
      %dma_wait3A_124 = tpu.memref_slice %arg2[%add3A_9] : memref<4096xi32, #tpu.memory_space<hbm>> -> memref<32xi32, #tpu.memory_space<hbm>>
      tpu.wait_dma2 semaphore(%run_scoped3A_108 : memref<!tpu.dma_semaphore, #tpu.memory_space<semaphore_mem>>) src(%dma_wait3A_124 : memref<32xi32, #tpu.memory_space<hbm>>) dst(%dma_wait3A_123 : memref<32xi32, #tpu.memory_space<vmem>>)
      tpu.yield
    }) : () -> ()
    %add3A_11 = arith.constant 96 : i32
    %add3A_12 = arith.addi %mul3A_2, %add3A_11 : i32
    %run_scoped3A_13 = arith.constant 3 : i32
    "tpu.region"() ({
      %run_scoped3A_108 = tpu.sem_alloc : memref<!tpu.dma_semaphore, #tpu.memory_space<semaphore_mem>>
      %dma_start3A_109 = arith.constant 0 : i32
      %dma_start3A_110 = tpu.memref_slice %arg5[%run_scoped3A_13, %dma_start3A_109] : memref<4x32xi32, #tpu.memory_space<vmem>> -> memref<1x32xi32, #tpu.memory_space<vmem>>
      %dma_start3A_111 = tpu.memref_squeeze %dma_start3A_110 : memref<1x32xi32, #tpu.memory_space<vmem>> -> memref<32xi32, #tpu.memory_space<vmem>>
      %dma_start3A_112 = tpu.memref_slice %arg2[%add3A_12] : memref<4096xi32, #tpu.memory_space<hbm>> -> memref<32xi32, #tpu.memory_space<hbm>>
      %dma_start3A_113 = arith.constant 0 : i32
      %dma_start3A_114 = tpu.memref_slice %arg5[%run_scoped3A_13, %dma_start3A_113] : memref<4x32xi32, #tpu.memory_space<vmem>> -> memref<1x32xi32, #tpu.memory_space<vmem>>
      %dma_start3A_115 = tpu.memref_squeeze %dma_start3A_114 : memref<1x32xi32, #tpu.memory_space<vmem>> -> memref<32xi32, #tpu.memory_space<vmem>>
      %dma_start3A_116 = tpu.memref_slice %arg2[%add3A_12] : memref<4096xi32, #tpu.memory_space<hbm>> -> memref<32xi32, #tpu.memory_space<hbm>>
      tpu.enqueue_dma source(%dma_start3A_116 : memref<32xi32, #tpu.memory_space<hbm>>) target(%dma_start3A_115 : memref<32xi32, #tpu.memory_space<vmem>>) target_semaphore(%run_scoped3A_108 : memref<!tpu.dma_semaphore, #tpu.memory_space<semaphore_mem>>)
      %dma_wait3A_117 = arith.constant 0 : i32
      %dma_wait3A_118 = tpu.memref_slice %arg5[%run_scoped3A_13, %dma_wait3A_117] : memref<4x32xi32, #tpu.memory_space<vmem>> -> memref<1x32xi32, #tpu.memory_space<vmem>>
      %dma_wait3A_119 = tpu.memref_squeeze %dma_wait3A_118 : memref<1x32xi32, #tpu.memory_space<vmem>> -> memref<32xi32, #tpu.memory_space<vmem>>
      %dma_wait3A_120 = tpu.memref_slice %arg2[%add3A_12] : memref<4096xi32, #tpu.memory_space<hbm>> -> memref<32xi32, #tpu.memory_space<hbm>>
      %dma_wait3A_121 = arith.constant 0 : i32
      %dma_wait3A_122 = tpu.memref_slice %arg5[%run_scoped3A_13, %dma_wait3A_121] : memref<4x32xi32, #tpu.memory_space<vmem>> -> memref<1x32xi32, #tpu.memory_space<vmem>>
      %dma_wait3A_123 = tpu.memref_squeeze %dma_wait3A_122 : memref<1x32xi32, #tpu.memory_space<vmem>> -> memref<32xi32, #tpu.memory_space<vmem>>
      %dma_wait3A_124 = tpu.memref_slice %arg2[%add3A_12] : memref<4096xi32, #tpu.memory_space<hbm>> -> memref<32xi32, #tpu.memory_space<hbm>>
      tpu.wait_dma2 semaphore(%run_scoped3A_108 : memref<!tpu.dma_semaphore, #tpu.memory_space<semaphore_mem>>) src(%dma_wait3A_124 : memref<32xi32, #tpu.memory_space<hbm>>) dst(%dma_wait3A_123 : memref<32xi32, #tpu.memory_space<vmem>>)
      tpu.yield
    }) : () -> ()
    %dma_start3A = arith.constant 0 : i32
    %dma_start3A_14 = arith.constant 0 : i32
    %dma_start3A_15 = tpu.memref_slice %arg5[%dma_start3A, %dma_start3A_14] : memref<4x32xi32, #tpu.memory_space<vmem>> -> memref<1x32xi32, #tpu.memory_space<vmem>>
    %dma_start3A_16 = tpu.memref_squeeze %dma_start3A_15 : memref<1x32xi32, #tpu.memory_space<vmem>> -> memref<32xi32, #tpu.memory_space<vmem>>
    %dma_start3A_17 = arith.constant 0 : i32
    %dma_start3A_18 = arith.constant 0 : i32
    %dma_start3A_19 = tpu.memref_slice %arg3[%dma_start3A_17, %dma_start3A_18] : memref<100000x1024xf32, #tpu.memory_space<hbm>> -> memref<100000x1024xf32, #tpu.memory_space<hbm>>
    tpu.enqueue_indirect_dma source(%dma_start3A_19 : memref<100000x1024xf32, #tpu.memory_space<hbm>>) target(%arg6 : memref<32x1024xf32, #tpu.memory_space<vmem>>) offsets(%dma_start3A_16 : memref<32xi32, #tpu.memory_space<vmem>>) semaphore(%arg8 : memref<!tpu.dma_semaphore, #tpu.memory_space<semaphore_mem>>)
    %dma_start3A_20 = arith.constant 1 : i32
    %dma_start3A_21 = arith.constant 0 : i32
    %dma_start3A_22 = tpu.memref_slice %arg5[%dma_start3A_20, %dma_start3A_21] : memref<4x32xi32, #tpu.memory_space<vmem>> -> memref<1x32xi32, #tpu.memory_space<vmem>>
    %dma_start3A_23 = tpu.memref_squeeze %dma_start3A_22 : memref<1x32xi32, #tpu.memory_space<vmem>> -> memref<32xi32, #tpu.memory_space<vmem>>
    %dma_start3A_24 = arith.constant 0 : i32
    %dma_start3A_25 = arith.constant 0 : i32
    %dma_start3A_26 = tpu.memref_slice %arg3[%dma_start3A_24, %dma_start3A_25] : memref<100000x1024xf32, #tpu.memory_space<hbm>> -> memref<100000x1024xf32, #tpu.memory_space<hbm>>
    tpu.enqueue_indirect_dma source(%dma_start3A_26 : memref<100000x1024xf32, #tpu.memory_space<hbm>>) target(%arg7 : memref<32x1024xf32, #tpu.memory_space<vmem>>) offsets(%dma_start3A_23 : memref<32xi32, #tpu.memory_space<vmem>>) semaphore(%arg9 : memref<!tpu.dma_semaphore, #tpu.memory_space<semaphore_mem>>)
    %dma_wait3A = arith.constant 0 : i32
    %dma_wait3A_27 = arith.constant 0 : i32
    %dma_wait3A_28 = tpu.memref_slice %arg5[%dma_wait3A, %dma_wait3A_27] : memref<4x32xi32, #tpu.memory_space<vmem>> -> memref<1x32xi32, #tpu.memory_space<vmem>>
    %dma_wait3A_29 = tpu.memref_squeeze %dma_wait3A_28 : memref<1x32xi32, #tpu.memory_space<vmem>> -> memref<32xi32, #tpu.memory_space<vmem>>
    %dma_wait3A_30 = arith.constant 0 : i32
    %dma_wait3A_31 = arith.constant 0 : i32
    %dma_wait3A_32 = tpu.memref_slice %arg3[%dma_wait3A_30, %dma_wait3A_31] : memref<100000x1024xf32, #tpu.memory_space<hbm>> -> memref<100000x1024xf32, #tpu.memory_space<hbm>>
    tpu.wait_indirect_dma semaphore(%arg8 : memref<!tpu.dma_semaphore, #tpu.memory_space<semaphore_mem>>) src(%dma_wait3A_32 : memref<100000x1024xf32, #tpu.memory_space<hbm>>) dst(%arg6 : memref<32x1024xf32, #tpu.memory_space<vmem>>)
    %add3A_33 = arith.constant 0 : i32
    %add3A_34 = arith.addi %mul3A_2, %add3A_33 : i32
    %dma_start3A_35 = arith.constant 0 : i32
    %dma_start3A_36 = tpu.memref_slice %arg4[%add3A_34, %dma_start3A_35] : memref<4096x1024xf32, #tpu.memory_space<hbm>> -> memref<32x1024xf32, #tpu.memory_space<hbm>>
    %dma_start3A_37 = arith.constant 0 : i32
    %dma_start3A_38 = tpu.memref_slice %arg4[%add3A_34, %dma_start3A_37] : memref<4096x1024xf32, #tpu.memory_space<hbm>> -> memref<32x1024xf32, #tpu.memory_space<hbm>>
    tpu.enqueue_dma source(%arg6 : memref<32x1024xf32, #tpu.memory_space<vmem>>) target(%dma_start3A_38 : memref<32x1024xf32, #tpu.memory_space<hbm>>) target_semaphore(%arg10 : memref<!tpu.dma_semaphore, #tpu.memory_space<semaphore_mem>>)
    %dma_wait3A_39 = arith.constant 0 : i32
    %dma_wait3A_40 = tpu.memref_slice %arg4[%add3A_34, %dma_wait3A_39] : memref<4096x1024xf32, #tpu.memory_space<hbm>> -> memref<32x1024xf32, #tpu.memory_space<hbm>>
    %dma_wait3A_41 = arith.constant 0 : i32
    %dma_wait3A_42 = tpu.memref_slice %arg4[%add3A_34, %dma_wait3A_41] : memref<4096x1024xf32, #tpu.memory_space<hbm>> -> memref<32x1024xf32, #tpu.memory_space<hbm>>
    tpu.wait_dma2 semaphore(%arg10 : memref<!tpu.dma_semaphore, #tpu.memory_space<semaphore_mem>>) src(%arg6 : memref<32x1024xf32, #tpu.memory_space<vmem>>) dst(%dma_wait3A_42 : memref<32x1024xf32, #tpu.memory_space<hbm>>)
    %dma_start3A_43 = arith.constant 2 : i32
    %dma_start3A_44 = arith.constant 0 : i32
    %dma_start3A_45 = tpu.memref_slice %arg5[%dma_start3A_43, %dma_start3A_44] : memref<4x32xi32, #tpu.memory_space<vmem>> -> memref<1x32xi32, #tpu.memory_space<vmem>>
    %dma_start3A_46 = tpu.memref_squeeze %dma_start3A_45 : memref<1x32xi32, #tpu.memory_space<vmem>> -> memref<32xi32, #tpu.memory_space<vmem>>
    %dma_start3A_47 = arith.constant 0 : i32
    %dma_start3A_48 = arith.constant 0 : i32
    %dma_start3A_49 = tpu.memref_slice %arg3[%dma_start3A_47, %dma_start3A_48] : memref<100000x1024xf32, #tpu.memory_space<hbm>> -> memref<100000x1024xf32, #tpu.memory_space<hbm>>
    tpu.enqueue_indirect_dma source(%dma_start3A_49 : memref<100000x1024xf32, #tpu.memory_space<hbm>>) target(%arg6 : memref<32x1024xf32, #tpu.memory_space<vmem>>) offsets(%dma_start3A_46 : memref<32xi32, #tpu.memory_space<vmem>>) semaphore(%arg8 : memref<!tpu.dma_semaphore, #tpu.memory_space<semaphore_mem>>)
    %dma_wait3A_50 = arith.constant 1 : i32
    %dma_wait3A_51 = arith.constant 0 : i32
    %dma_wait3A_52 = tpu.memref_slice %arg5[%dma_wait3A_50, %dma_wait3A_51] : memref<4x32xi32, #tpu.memory_space<vmem>> -> memref<1x32xi32, #tpu.memory_space<vmem>>
    %dma_wait3A_53 = tpu.memref_squeeze %dma_wait3A_52 : memref<1x32xi32, #tpu.memory_space<vmem>> -> memref<32xi32, #tpu.memory_space<vmem>>
    %dma_wait3A_54 = arith.constant 0 : i32
    %dma_wait3A_55 = arith.constant 0 : i32
    %dma_wait3A_56 = tpu.memref_slice %arg3[%dma_wait3A_54, %dma_wait3A_55] : memref<100000x1024xf32, #tpu.memory_space<hbm>> -> memref<100000x1024xf32, #tpu.memory_space<hbm>>
    tpu.wait_indirect_dma semaphore(%arg9 : memref<!tpu.dma_semaphore, #tpu.memory_space<semaphore_mem>>) src(%dma_wait3A_56 : memref<100000x1024xf32, #tpu.memory_space<hbm>>) dst(%arg7 : memref<32x1024xf32, #tpu.memory_space<vmem>>)
    %add3A_57 = arith.constant 32 : i32
    %add3A_58 = arith.addi %mul3A_2, %add3A_57 : i32
    %dma_start3A_59 = arith.constant 0 : i32
    %dma_start3A_60 = tpu.memref_slice %arg4[%add3A_58, %dma_start3A_59] : memref<4096x1024xf32, #tpu.memory_space<hbm>> -> memref<32x1024xf32, #tpu.memory_space<hbm>>
    %dma_start3A_61 = arith.constant 0 : i32
    %dma_start3A_62 = tpu.memref_slice %arg4[%add3A_58, %dma_start3A_61] : memref<4096x1024xf32, #tpu.memory_space<hbm>> -> memref<32x1024xf32, #tpu.memory_space<hbm>>
    tpu.enqueue_dma source(%arg7 : memref<32x1024xf32, #tpu.memory_space<vmem>>) target(%dma_start3A_62 : memref<32x1024xf32, #tpu.memory_space<hbm>>) target_semaphore(%arg11 : memref<!tpu.dma_semaphore, #tpu.memory_space<semaphore_mem>>)
    %dma_wait3A_63 = arith.constant 0 : i32
    %dma_wait3A_64 = tpu.memref_slice %arg4[%add3A_58, %dma_wait3A_63] : memref<4096x1024xf32, #tpu.memory_space<hbm>> -> memref<32x1024xf32, #tpu.memory_space<hbm>>
    %dma_wait3A_65 = arith.constant 0 : i32
    %dma_wait3A_66 = tpu.memref_slice %arg4[%add3A_58, %dma_wait3A_65] : memref<4096x1024xf32, #tpu.memory_space<hbm>> -> memref<32x1024xf32, #tpu.memory_space<hbm>>
    tpu.wait_dma2 semaphore(%arg11 : memref<!tpu.dma_semaphore, #tpu.memory_space<semaphore_mem>>) src(%arg7 : memref<32x1024xf32, #tpu.memory_space<vmem>>) dst(%dma_wait3A_66 : memref<32x1024xf32, #tpu.memory_space<hbm>>)
    %dma_start3A_67 = arith.constant 3 : i32
    %dma_start3A_68 = arith.constant 0 : i32
    %dma_start3A_69 = tpu.memref_slice %arg5[%dma_start3A_67, %dma_start3A_68] : memref<4x32xi32, #tpu.memory_space<vmem>> -> memref<1x32xi32, #tpu.memory_space<vmem>>
    %dma_start3A_70 = tpu.memref_squeeze %dma_start3A_69 : memref<1x32xi32, #tpu.memory_space<vmem>> -> memref<32xi32, #tpu.memory_space<vmem>>
    %dma_start3A_71 = arith.constant 0 : i32
    %dma_start3A_72 = arith.constant 0 : i32
    %dma_start3A_73 = tpu.memref_slice %arg3[%dma_start3A_71, %dma_start3A_72] : memref<100000x1024xf32, #tpu.memory_space<hbm>> -> memref<100000x1024xf32, #tpu.memory_space<hbm>>
    tpu.enqueue_indirect_dma source(%dma_start3A_73 : memref<100000x1024xf32, #tpu.memory_space<hbm>>) target(%arg7 : memref<32x1024xf32, #tpu.memory_space<vmem>>) offsets(%dma_start3A_70 : memref<32xi32, #tpu.memory_space<vmem>>) semaphore(%arg9 : memref<!tpu.dma_semaphore, #tpu.memory_space<semaphore_mem>>)
    %dma_wait3A_74 = arith.constant 2 : i32
    %dma_wait3A_75 = arith.constant 0 : i32
    %dma_wait3A_76 = tpu.memref_slice %arg5[%dma_wait3A_74, %dma_wait3A_75] : memref<4x32xi32, #tpu.memory_space<vmem>> -> memref<1x32xi32, #tpu.memory_space<vmem>>
    %dma_wait3A_77 = tpu.memref_squeeze %dma_wait3A_76 : memref<1x32xi32, #tpu.memory_space<vmem>> -> memref<32xi32, #tpu.memory_space<vmem>>
    %dma_wait3A_78 = arith.constant 0 : i32
    %dma_wait3A_79 = arith.constant 0 : i32
    %dma_wait3A_80 = tpu.memref_slice %arg3[%dma_wait3A_78, %dma_wait3A_79] : memref<100000x1024xf32, #tpu.memory_space<hbm>> -> memref<100000x1024xf32, #tpu.memory_space<hbm>>
    tpu.wait_indirect_dma semaphore(%arg8 : memref<!tpu.dma_semaphore, #tpu.memory_space<semaphore_mem>>) src(%dma_wait3A_80 : memref<100000x1024xf32, #tpu.memory_space<hbm>>) dst(%arg6 : memref<32x1024xf32, #tpu.memory_space<vmem>>)
    %add3A_81 = arith.constant 64 : i32
    %add3A_82 = arith.addi %mul3A_2, %add3A_81 : i32
    %dma_start3A_83 = arith.constant 0 : i32
    %dma_start3A_84 = tpu.memref_slice %arg4[%add3A_82, %dma_start3A_83] : memref<4096x1024xf32, #tpu.memory_space<hbm>> -> memref<32x1024xf32, #tpu.memory_space<hbm>>
    %dma_start3A_85 = arith.constant 0 : i32
    %dma_start3A_86 = tpu.memref_slice %arg4[%add3A_82, %dma_start3A_85] : memref<4096x1024xf32, #tpu.memory_space<hbm>> -> memref<32x1024xf32, #tpu.memory_space<hbm>>
    tpu.enqueue_dma source(%arg6 : memref<32x1024xf32, #tpu.memory_space<vmem>>) target(%dma_start3A_86 : memref<32x1024xf32, #tpu.memory_space<hbm>>) target_semaphore(%arg10 : memref<!tpu.dma_semaphore, #tpu.memory_space<semaphore_mem>>)
    %dma_wait3A_87 = arith.constant 3 : i32
    %dma_wait3A_88 = arith.constant 0 : i32
    %dma_wait3A_89 = tpu.memref_slice %arg5[%dma_wait3A_87, %dma_wait3A_88] : memref<4x32xi32, #tpu.memory_space<vmem>> -> memref<1x32xi32, #tpu.memory_space<vmem>>
    %dma_wait3A_90 = tpu.memref_squeeze %dma_wait3A_89 : memref<1x32xi32, #tpu.memory_space<vmem>> -> memref<32xi32, #tpu.memory_space<vmem>>
    %dma_wait3A_91 = arith.constant 0 : i32
    %dma_wait3A_92 = arith.constant 0 : i32
    %dma_wait3A_93 = tpu.memref_slice %arg3[%dma_wait3A_91, %dma_wait3A_92] : memref<100000x1024xf32, #tpu.memory_space<hbm>> -> memref<100000x1024xf32, #tpu.memory_space<hbm>>
    tpu.wait_indirect_dma semaphore(%arg9 : memref<!tpu.dma_semaphore, #tpu.memory_space<semaphore_mem>>) src(%dma_wait3A_93 : memref<100000x1024xf32, #tpu.memory_space<hbm>>) dst(%arg7 : memref<32x1024xf32, #tpu.memory_space<vmem>>)
    %add3A_94 = arith.constant 96 : i32
    %add3A_95 = arith.addi %mul3A_2, %add3A_94 : i32
    %dma_start3A_96 = arith.constant 0 : i32
    %dma_start3A_97 = tpu.memref_slice %arg4[%add3A_95, %dma_start3A_96] : memref<4096x1024xf32, #tpu.memory_space<hbm>> -> memref<32x1024xf32, #tpu.memory_space<hbm>>
    %dma_start3A_98 = arith.constant 0 : i32
    %dma_start3A_99 = tpu.memref_slice %arg4[%add3A_95, %dma_start3A_98] : memref<4096x1024xf32, #tpu.memory_space<hbm>> -> memref<32x1024xf32, #tpu.memory_space<hbm>>
    tpu.enqueue_dma source(%arg7 : memref<32x1024xf32, #tpu.memory_space<vmem>>) target(%dma_start3A_99 : memref<32x1024xf32, #tpu.memory_space<hbm>>) target_semaphore(%arg11 : memref<!tpu.dma_semaphore, #tpu.memory_space<semaphore_mem>>)
    %dma_wait3A_100 = arith.constant 0 : i32
    %dma_wait3A_101 = tpu.memref_slice %arg4[%add3A_82, %dma_wait3A_100] : memref<4096x1024xf32, #tpu.memory_space<hbm>> -> memref<32x1024xf32, #tpu.memory_space<hbm>>
    %dma_wait3A_102 = arith.constant 0 : i32
    %dma_wait3A_103 = tpu.memref_slice %arg4[%add3A_82, %dma_wait3A_102] : memref<4096x1024xf32, #tpu.memory_space<hbm>> -> memref<32x1024xf32, #tpu.memory_space<hbm>>
    tpu.wait_dma2 semaphore(%arg10 : memref<!tpu.dma_semaphore, #tpu.memory_space<semaphore_mem>>) src(%arg6 : memref<32x1024xf32, #tpu.memory_space<vmem>>) dst(%dma_wait3A_103 : memref<32x1024xf32, #tpu.memory_space<hbm>>)
    %dma_wait3A_104 = arith.constant 0 : i32
    %dma_wait3A_105 = tpu.memref_slice %arg4[%add3A_95, %dma_wait3A_104] : memref<4096x1024xf32, #tpu.memory_space<hbm>> -> memref<32x1024xf32, #tpu.memory_space<hbm>>
    %dma_wait3A_106 = arith.constant 0 : i32
    %dma_wait3A_107 = tpu.memref_slice %arg4[%add3A_95, %dma_wait3A_106] : memref<4096x1024xf32, #tpu.memory_space<hbm>> -> memref<32x1024xf32, #tpu.memory_space<hbm>>
    tpu.wait_dma2 semaphore(%arg11 : memref<!tpu.dma_semaphore, #tpu.memory_space<semaphore_mem>>) src(%arg7 : memref<32x1024xf32, #tpu.memory_space<vmem>>) dst(%dma_wait3A_107 : memref<32x1024xf32, #tpu.memory_space<hbm>>)
    return
  }
}

module attributes {stable_mosaic.version = 14 : i64} {
  func.func @_ln_body_first(%arg0: i32, %arg1: i32, %arg2: memref<1x1024x1024xf32, #tpu.memory_space<vmem>>, %arg3: memref<1024x1024xf32, #tpu.memory_space<vmem>>, %arg4: memref<1x1024xf32, #tpu.memory_space<vmem>>, %arg5: memref<1x1024xf32, #tpu.memory_space<vmem>>, %arg6: memref<1x1024xf32, #tpu.memory_space<vmem>>, %arg7: memref<1x1024x1024xf32, #tpu.memory_space<vmem>>) attributes {dimension_semantics = [#tpu.dimension_semantics<arbitrary>, #tpu.dimension_semantics<arbitrary>], iteration_bounds = array<i64: 1, 4>, scalar_prefetch = 0 : i64, scratch_operands = 0 : i64, tpu.core_type = #tpu.core_type<tc>, window_params = [{transform_indices = @transform_0, window_bounds = array<i64: 1, 1024, 1024>}, {transform_indices = @transform_1, window_bounds = array<i64: 1024, 1024>}, {pipeline_mode = #tpu.pipeline_mode<synchronous>, transform_indices = @transform_2, window_bounds = array<i64: 1, 1024>}, {pipeline_mode = #tpu.pipeline_mode<synchronous>, transform_indices = @transform_3, window_bounds = array<i64: 1, 1024>}, {pipeline_mode = #tpu.pipeline_mode<synchronous>, transform_indices = @transform_4, window_bounds = array<i64: 1, 1024>}, {transform_indices = @transform_5, window_bounds = array<i64: 1, 1024, 1024>}]} {
    %get3A = arith.constant 0 : index
    %get3A_0 = arith.constant 0 : index
    %get3A_1 = arith.constant 0 : index
    %get3A_2 = vector.load %arg2[%get3A, %get3A_0, %get3A_1] : memref<1x1024x1024xf32, #tpu.memory_space<vmem>>, vector<1x1024x1024xf32>
    %get3A_3 = vector.shape_cast %get3A_2 : vector<1x1024x1024xf32> to vector<1024x1024xf32>
    %get3A_4 = arith.constant 0 : index
    %get3A_5 = arith.constant 0 : index
    %get3A_6 = vector.load %arg3[%get3A_4, %get3A_5] : memref<1024x1024xf32, #tpu.memory_space<vmem>>, vector<1024x1024xf32>
    %add3A = arith.addf %get3A_3, %get3A_6 : vector<1024x1024xf32>
    %get3A_7 = arith.constant 0 : index
    %get3A_8 = arith.constant 0 : index
    %get3A_9 = vector.load %arg4[%get3A_7, %get3A_8] : memref<1x1024xf32, #tpu.memory_space<vmem>>, vector<1x1024xf32>
    %add3A_10 = vector.broadcast %get3A_9 : vector<1x1024xf32> to vector<1024x1024xf32>
    %add3A_11 = arith.addf %add3A, %add3A_10 : vector<1024x1024xf32>
    %reduce_sum3A = arith.constant dense<0.000000e+00> : vector<1024xf32>
    %reduce_sum3A_12 = vector.multi_reduction <add>, %add3A_11, %reduce_sum3A [1] : vector<1024x1024xf32> to vector<1024xf32>
    %broadcast_in_dim3A = vector.shape_cast %reduce_sum3A_12 : vector<1024xf32> to vector<1024x1xf32>
    %div3A = arith.constant 1.024000e+03 : f32
    %div3A_13 = vector.broadcast %div3A : f32 to vector<1024x1xf32>
    %div3A_14 = arith.divf %broadcast_in_dim3A, %div3A_13 : vector<1024x1xf32>
    %sub3A = vector.broadcast %div3A_14 : vector<1024x1xf32> to vector<1024x1024xf32>
    %sub3A_15 = arith.subf %add3A_11, %sub3A : vector<1024x1024xf32>
    %mul3A = arith.mulf %sub3A_15, %sub3A_15 : vector<1024x1024xf32>
    %reduce_sum3A_16 = arith.constant dense<0.000000e+00> : vector<1024xf32>
    %reduce_sum3A_17 = vector.multi_reduction <add>, %mul3A, %reduce_sum3A_16 [1] : vector<1024x1024xf32> to vector<1024xf32>
    %broadcast_in_dim3A_18 = vector.shape_cast %reduce_sum3A_17 : vector<1024xf32> to vector<1024x1xf32>
    %div3A_19 = arith.constant 1.024000e+03 : f32
    %div3A_20 = vector.broadcast %div3A_19 : f32 to vector<1024x1xf32>
    %div3A_21 = arith.divf %broadcast_in_dim3A_18, %div3A_20 : vector<1024x1xf32>
    %add3A_22 = arith.constant 9.99999997E-7 : f32
    %add3A_23 = vector.broadcast %add3A_22 : f32 to vector<1024x1xf32>
    %add3A_24 = arith.addf %div3A_21, %add3A_23 : vector<1024x1xf32>
    %rsqrt3A = math.rsqrt %add3A_24 : vector<1024x1xf32>
    %mul3A_25 = vector.broadcast %rsqrt3A : vector<1024x1xf32> to vector<1024x1024xf32>
    %mul3A_26 = arith.mulf %sub3A_15, %mul3A_25 : vector<1024x1024xf32>
    %get3A_27 = arith.constant 0 : index
    %get3A_28 = arith.constant 0 : index
    %get3A_29 = vector.load %arg5[%get3A_27, %get3A_28] : memref<1x1024xf32, #tpu.memory_space<vmem>>, vector<1x1024xf32>
    %mul3A_30 = vector.broadcast %get3A_29 : vector<1x1024xf32> to vector<1024x1024xf32>
    %mul3A_31 = arith.mulf %mul3A_26, %mul3A_30 : vector<1024x1024xf32>
    %get3A_32 = arith.constant 0 : index
    %get3A_33 = arith.constant 0 : index
    %get3A_34 = vector.load %arg6[%get3A_32, %get3A_33] : memref<1x1024xf32, #tpu.memory_space<vmem>>, vector<1x1024xf32>
    %add3A_35 = vector.broadcast %get3A_34 : vector<1x1024xf32> to vector<1024x1024xf32>
    %add3A_36 = arith.addf %mul3A_31, %add3A_35 : vector<1024x1024xf32>
    %swap3A = arith.constant 0 : index
    %swap3A_37 = arith.constant 0 : index
    %swap3A_38 = arith.constant 0 : index
    %swap3A_39 = vector.load %arg7[%swap3A, %swap3A_37, %swap3A_38] : memref<1x1024x1024xf32, #tpu.memory_space<vmem>>, vector<1x1024x1024xf32>
    %swap3A_40 = vector.shape_cast %swap3A_39 : vector<1x1024x1024xf32> to vector<1024x1024xf32>
    %swap3A_41 = vector.shape_cast %add3A_36 : vector<1024x1024xf32> to vector<1x1024x1024xf32>
    tpu.vector_store %arg7[%swap3A, %swap3A_37, %swap3A_38], %swap3A_41 {strides = array<i32>} : memref<1x1024x1024xf32, #tpu.memory_space<vmem>>, vector<1x1024x1024xf32>,
    return
  }
  func.func @transform_0(%arg0: i32, %arg1: i32) -> (i32, i32, i32) {
    %c0_i32 = arith.constant 0 : i32
    %c0_i32_0 = arith.constant 0 : i32
    return %arg1, %arg0, %c0_i32 : i32, i32, i32
  }
  func.func @transform_1(%arg0: i32, %arg1: i32) -> (i32, i32) {
    %add3A = arith.constant 0 : i32
    %add3A_0 = arith.addi %add3A, %arg0 : i32
    %c0_i32 = arith.constant 0 : i32
    %c0_i32_1 = arith.constant 0 : i32
    return %add3A_0, %c0_i32 : i32, i32
  }
  func.func @transform_2(%arg0: i32, %arg1: i32) -> (i32, i32) {
    %c0_i32 = arith.constant 0 : i32
    %c0_i32_0 = arith.constant 0 : i32
    %c0_i32_1 = arith.constant 0 : i32
    return %c0_i32, %c0_i32_0 : i32, i32
  }
  func.func @transform_3(%arg0: i32, %arg1: i32) -> (i32, i32) {
    %c0_i32 = arith.constant 0 : i32
    %c0_i32_0 = arith.constant 0 : i32
    %c0_i32_1 = arith.constant 0 : i32
    return %c0_i32, %c0_i32_0 : i32, i32
  }
  func.func @transform_4(%arg0: i32, %arg1: i32) -> (i32, i32) {
    %c0_i32 = arith.constant 0 : i32
    %c0_i32_0 = arith.constant 0 : i32
    %c0_i32_1 = arith.constant 0 : i32
    return %c0_i32, %c0_i32_0 : i32, i32
  }
  func.func @transform_5(%arg0: i32, %arg1: i32) -> (i32, i32, i32) {
    %add3A = arith.constant 0 : i32
    %add3A_0 = arith.addi %add3A, %arg0 : i32
    %c0_i32 = arith.constant 0 : i32
    %c0_i32_1 = arith.constant 0 : i32
    return %arg1, %add3A_0, %c0_i32 : i32, i32, i32
  }
}

module attributes {stable_mosaic.version = 14 : i64} {
  func.func @_ln_body_chained(%arg0: i32, %arg1: i32, %arg2: memref<1x1024x1024xf32, #tpu.memory_space<vmem>>, %arg3: memref<4x2048x1024xf32, #tpu.memory_space<any>>, %arg4: memref<1024x1024xf32, #tpu.memory_space<vmem>>, %arg5: memref<1x1024xf32, #tpu.memory_space<vmem>>, %arg6: memref<1x1024xf32, #tpu.memory_space<vmem>>, %arg7: memref<1x1024xf32, #tpu.memory_space<vmem>>, %arg8: memref<1x1024x1024xf32, #tpu.memory_space<vmem>>) attributes {dimension_semantics = [#tpu.dimension_semantics<arbitrary>, #tpu.dimension_semantics<arbitrary>], iteration_bounds = array<i64: 1, 4>, scalar_prefetch = 0 : i64, scratch_operands = 0 : i64, tpu.core_type = #tpu.core_type<tc>, window_params = [{transform_indices = @transform_0, window_bounds = array<i64: 1, 1024, 1024>}, {}, {transform_indices = @transform_2, window_bounds = array<i64: 1024, 1024>}, {pipeline_mode = #tpu.pipeline_mode<synchronous>, transform_indices = @transform_3, window_bounds = array<i64: 1, 1024>}, {pipeline_mode = #tpu.pipeline_mode<synchronous>, transform_indices = @transform_4, window_bounds = array<i64: 1, 1024>}, {pipeline_mode = #tpu.pipeline_mode<synchronous>, transform_indices = @transform_5, window_bounds = array<i64: 1, 1024>}, {transform_indices = @transform_6, window_bounds = array<i64: 1, 1024, 1024>}]} {
    %get3A = arith.constant 0 : index
    %get3A_0 = arith.constant 0 : index
    %get3A_1 = arith.constant 0 : index
    %get3A_2 = vector.load %arg2[%get3A, %get3A_0, %get3A_1] : memref<1x1024x1024xf32, #tpu.memory_space<vmem>>, vector<1x1024x1024xf32>
    %get3A_3 = vector.shape_cast %get3A_2 : vector<1x1024x1024xf32> to vector<1024x1024xf32>
    %get3A_4 = arith.constant 0 : index
    %get3A_5 = arith.constant 0 : index
    %get3A_6 = vector.load %arg4[%get3A_4, %get3A_5] : memref<1024x1024xf32, #tpu.memory_space<vmem>>, vector<1024x1024xf32>
    %add3A = arith.addf %get3A_3, %get3A_6 : vector<1024x1024xf32>
    %get3A_7 = arith.constant 0 : index
    %get3A_8 = arith.constant 0 : index
    %get3A_9 = vector.load %arg5[%get3A_7, %get3A_8] : memref<1x1024xf32, #tpu.memory_space<vmem>>, vector<1x1024xf32>
    %add3A_10 = vector.broadcast %get3A_9 : vector<1x1024xf32> to vector<1024x1024xf32>
    %add3A_11 = arith.addf %add3A, %add3A_10 : vector<1024x1024xf32>
    %reduce_sum3A = arith.constant dense<0.000000e+00> : vector<1024xf32>
    %reduce_sum3A_12 = vector.multi_reduction <add>, %add3A_11, %reduce_sum3A [1] : vector<1024x1024xf32> to vector<1024xf32>
    %broadcast_in_dim3A = vector.shape_cast %reduce_sum3A_12 : vector<1024xf32> to vector<1024x1xf32>
    %div3A = arith.constant 1.024000e+03 : f32
    %div3A_13 = vector.broadcast %div3A : f32 to vector<1024x1xf32>
    %div3A_14 = arith.divf %broadcast_in_dim3A, %div3A_13 : vector<1024x1xf32>
    %sub3A = vector.broadcast %div3A_14 : vector<1024x1xf32> to vector<1024x1024xf32>
    %sub3A_15 = arith.subf %add3A_11, %sub3A : vector<1024x1024xf32>
    %mul3A = arith.mulf %sub3A_15, %sub3A_15 : vector<1024x1024xf32>
    %reduce_sum3A_16 = arith.constant dense<0.000000e+00> : vector<1024xf32>
    %reduce_sum3A_17 = vector.multi_reduction <add>, %mul3A, %reduce_sum3A_16 [1] : vector<1024x1024xf32> to vector<1024xf32>
    %broadcast_in_dim3A_18 = vector.shape_cast %reduce_sum3A_17 : vector<1024xf32> to vector<1024x1xf32>
    %div3A_19 = arith.constant 1.024000e+03 : f32
    %div3A_20 = vector.broadcast %div3A_19 : f32 to vector<1024x1xf32>
    %div3A_21 = arith.divf %broadcast_in_dim3A_18, %div3A_20 : vector<1024x1xf32>
    %add3A_22 = arith.constant 9.99999997E-7 : f32
    %add3A_23 = vector.broadcast %add3A_22 : f32 to vector<1024x1xf32>
    %add3A_24 = arith.addf %div3A_21, %add3A_23 : vector<1024x1xf32>
    %rsqrt3A = math.rsqrt %add3A_24 : vector<1024x1xf32>
    %mul3A_25 = vector.broadcast %rsqrt3A : vector<1024x1xf32> to vector<1024x1024xf32>
    %mul3A_26 = arith.mulf %sub3A_15, %mul3A_25 : vector<1024x1024xf32>
    %get3A_27 = arith.constant 0 : index
    %get3A_28 = arith.constant 0 : index
    %get3A_29 = vector.load %arg6[%get3A_27, %get3A_28] : memref<1x1024xf32, #tpu.memory_space<vmem>>, vector<1x1024xf32>
    %mul3A_30 = vector.broadcast %get3A_29 : vector<1x1024xf32> to vector<1024x1024xf32>
    %mul3A_31 = arith.mulf %mul3A_26, %mul3A_30 : vector<1024x1024xf32>
    %get3A_32 = arith.constant 0 : index
    %get3A_33 = arith.constant 0 : index
    %get3A_34 = vector.load %arg7[%get3A_32, %get3A_33] : memref<1x1024xf32, #tpu.memory_space<vmem>>, vector<1x1024xf32>
    %add3A_35 = vector.broadcast %get3A_34 : vector<1x1024xf32> to vector<1024x1024xf32>
    %add3A_36 = arith.addf %mul3A_31, %add3A_35 : vector<1024x1024xf32>
    %swap3A = arith.constant 0 : index
    %swap3A_37 = arith.constant 0 : index
    %swap3A_38 = arith.constant 0 : index
    %swap3A_39 = vector.load %arg8[%swap3A, %swap3A_37, %swap3A_38] : memref<1x1024x1024xf32, #tpu.memory_space<vmem>>, vector<1x1024x1024xf32>
    %swap3A_40 = vector.shape_cast %swap3A_39 : vector<1x1024x1024xf32> to vector<1024x1024xf32>
    %swap3A_41 = vector.shape_cast %add3A_36 : vector<1024x1024xf32> to vector<1x1024x1024xf32>
    tpu.vector_store %arg8[%swap3A, %swap3A_37, %swap3A_38], %swap3A_41 {strides = array<i32>} : memref<1x1024x1024xf32, #tpu.memory_space<vmem>>, vector<1x1024x1024xf32>,
    return
  }
  func.func @transform_0(%arg0: i32, %arg1: i32) -> (i32, i32, i32) {
    %c0_i32 = arith.constant 0 : i32
    %c0_i32_0 = arith.constant 0 : i32
    return %arg1, %arg0, %c0_i32 : i32, i32, i32
  }
  func.func @transform_2(%arg0: i32, %arg1: i32) -> (i32, i32) {
    %add3A = arith.constant 1 : i32
    %add3A_0 = arith.addi %add3A, %arg0 : i32
    %c0_i32 = arith.constant 0 : i32
    %c0_i32_1 = arith.constant 0 : i32
    return %add3A_0, %c0_i32 : i32, i32
  }
  func.func @transform_3(%arg0: i32, %arg1: i32) -> (i32, i32) {
    %c0_i32 = arith.constant 0 : i32
    %c0_i32_0 = arith.constant 0 : i32
    %c0_i32_1 = arith.constant 0 : i32
    return %c0_i32, %c0_i32_0 : i32, i32
  }
  func.func @transform_4(%arg0: i32, %arg1: i32) -> (i32, i32) {
    %c0_i32 = arith.constant 0 : i32
    %c0_i32_0 = arith.constant 0 : i32
    %c0_i32_1 = arith.constant 0 : i32
    return %c0_i32, %c0_i32_0 : i32, i32
  }
  func.func @transform_5(%arg0: i32, %arg1: i32) -> (i32, i32) {
    %c0_i32 = arith.constant 0 : i32
    %c0_i32_0 = arith.constant 0 : i32
    %c0_i32_1 = arith.constant 0 : i32
    return %c0_i32, %c0_i32_0 : i32, i32
  }
  func.func @transform_6(%arg0: i32, %arg1: i32) -> (i32, i32, i32) {
    %add3A = arith.constant 1 : i32
    %add3A_0 = arith.addi %add3A, %arg0 : i32
    %c0_i32 = arith.constant 0 : i32
    %c0_i32_1 = arith.constant 0 : i32
    return %arg1, %add3A_0, %c0_i32 : i32, i32, i32
  }
}

</mosaic_0001>

<sc_bundles>
// kernel: kernel.6.cloned.1.call-start
scs
__scs_entry_jumppad:
0x0: {  	(pc) =	sbr.rel $0x88, $3  }
0x1: {  	(tag) =	ssettag $0x0;
	lr =	simm.s32 $0x1  }
0x2: {  	[smem:$0x3F9B] =	sst lr;
	_ =	strace $0xD0000000  }
0x3: {  	_ = 	snop  }
0x4: {  	_ = 	snop  }
0x5: {  	_ = 	snop  }
0x6: {  	_ = 	snop  }
0x7: {  	_ = 	snop  }
__scs_overlays_trampoline_lowered:
0x8: {  	[smem:$0x3FAA] =	sst s0  }
0x9: {  	[smem:$0x3FAB] =	sst s1  }
0xa: {  	[smem:$0x3FAC] =	sst s2  }
0xb: {  	[smem:$0x3FAD] =	sst s3  }
0xc: {  	[smem:$0x3FAE] =	sst s4  }
0xd: {  	[smem:$0x3FAF] =	sst s5  }
0xe: {  	[smem:$0x3FB0] =	sst s6  }
0xf: {  	[smem:$0x3FB1] =	sst s7  }
0x10: {  	[smem:$0x3FB2] =	sst s8  }
0x11: {  	[smem:$0x3FB3] =	sst s9;
	s0 =	simm.s32 @!p0 $0x0  }
0x12: {  	s1 =	sld [smem:$0x3F99];
	s0 =	simm.s32 @p0 $0x1  }
0x13: {  	[smem:$0x3FB4] =	sst s0;
	s0 =	simm.s32 @!p1 $0x0  }
0x14: {  	s2 =	sld [smem:$0x3F98];
	s0 =	simm.s32 @p1 $0x1  }
0x15: {  	[smem:$0x3FB5] =	sst s0;
	s0 =	simm.s32 @!p2 $0x0  }
0x16: {  	s3 =	sld [smem:$0x3FDB];
	s0 =	simm.s32 @p2 $0x1  }
0x17: {  	s4 =	simm.s32 $0x1BF5;
	[smem:$0x3FB7] =	sst s0  }
0x18: {  	s0 =	sld [smem:$0x3F9A];
	_ =	swait.ge [sflag:s4], $0x0  }
0x19: {  	s7 =	sld [smem:$0x3F9B]  }
0x1a: {  	s8 =	sadd.s32 $0xFFFFE003, lr  }
0x1b: {  	s9 =	sadd.s32 $0xFFFFFEF7, lr;
	s5 =	simm.s32 $0xFFFFFFFF;
	p2 =	slt.u32 s8, $0xFFFFF086  }
0x1c: {  	p1 =	slt.u32 s9, $0xF7A;
	s5 =	simm.s32 @!p2 $0x0  }
0x1d: {  	s5 =	simm.s32 @p1 $0x1;
	p0 =	seq.s32 s7, s2  }
0x1e: {  	s7 =	smul.u32 @!p0 $0xF7A, s2;
	p2 =	seq.s32 @!p0 s5, $0x0  }
0x1f: {  	s9 =	smul.u32 $0xF7A, s1;
	s8 =	simm.s32 @!p0 $0x1BF5;
	p2 =	por !p2, p0  }
0x20: {  	[sflag:s8] =	ssyncset.s32 @!p0 $0xFFFFF086;
	s6 =	sadd.s32 @!p0 s3, s7;
	s7 =	simm.s32 @!p0 $0x108  }
0x21: {  	s3 =	sadd.s32 s3, s9;
	s6 =	sadd.s32 @!p0 $0x88, s6;
	s7 =	simm.s32 @p2 $0x1082  }
0x22: {  	[simem:s7], [sflag:s8] =	dma.local @!p0 [hbm:s6], $0xF7A  }
0x23: {  	s9 =	sor.u32 $0xD0000000, s2;
	s6 =	simm.s32 $0x108;
	_ =	swait.ge @!p0 [sflag:s8], $0x0  }
0x24: {  	s3 =	sadd.s32 $0x88, s3;
	s6 =	simm.s32 @!p1 $0x1082;
	[sflag:s4] =	ssyncset.s32 $0xFFFFF086  }
0x25: {  	[simem:s6], [sflag:s4] =	dma.local [hbm:s3], $0xF7A  }
0x26: {  	[smem:$0x3F9B] =	sst s1;
	(tag) =	ssettag s2;
	_ =	strace s9  }
0x27: {  	s1 =	sld [smem:$0x3FAB]  }
0x28: {  	s2 =	sld [smem:$0x3FAC]  }
0x29: {  	s4 =	sld [smem:$0x3FAE]  }
0x2a: {  	p0 =	seq.s32 s5, $0x0;
	s5 =	sld [smem:$0x3FAF]  }
0x2b: {  	s6 =	sld [smem:$0x3FB0]  }
0x2c: {  	s7 =	sld [smem:$0x3FB1]  }
0x2d: {  	s3 =	simm.s32 $0x108;
	s8 =	sld [smem:$0x3FB2]  }
0x2e: {  	s3 =	simm.s32 @!p0 $0x1082;
	s9 =	sld [smem:$0x3FB3]  }
0x2f: {  	lr =	sadd.s32 s0, s3;
	s0 =	sld [smem:$0x3FAA]  }
0x30: {  	s3 =	sld [smem:$0x3FAD]  }
0x31: {  	[smem:$0x3FB6] =	sst s10  }
0x32: {  	s10 =	sld [smem:$0x3FB4];
	_ =	sdelay $0x3  }
0x33: {  	p0 =	seq.s32 s10, $0x1;
	s10 =	sld [smem:$0x3FB6];
	_ =	sdelay $0x3  }
0x34: {  	[smem:$0x3FB6] =	sst s10  }
0x35: {  	s10 =	sld [smem:$0x3FB5];
	_ =	sdelay $0x3  }
0x36: {  	p1 =	seq.s32 s10, $0x1;
	s10 =	sld [smem:$0x3FB6];
	_ =	sdelay $0x3  }
0x37: {  	[smem:$0x3FB6] =	sst s10  }
0x38: {  	s10 =	sld [smem:$0x3FB7]  }
0x39: {  	_ = 	snop;
	(pc) =	sbr.ind lr, $3  }
0x3a: {  	_ = 	snop  }
0x3b: {  	_ = 	snop  }
0x3c: {  	p2 =	seq.s32 s10, $0x1;
	s10 =	sld [smem:$0x3FB6]  }
0x3d: {  	_ =	shalt  }
0x3e: {  	_ =	shalt  }
0x3f: {  	_ =	shalt  }
0x40: {  	_ =	shalt  }
0x41: {  	_ =	shalt  }
0x42: {  	_ =	shalt  }
0x43: {  	_ =	shalt  }
0x44: {  	_ =	shalt  }
0x45: {  	_ =	shalt  }
0x46: {  	_ =	shalt  }
0x47: {  	_ =	shalt  }
0x48: {  	_ =	shalt  }
0x49: {  	_ =	shalt  }
0x4a: {  	_ =	shalt  }
0x4b: {  	_ =	shalt  }
0x4c: {  	_ =	shalt  }
0x4d: {  	_ =	shalt  }
0x4e: {  	_ =	shalt  }
0x4f: {  	_ =	shalt  }
0x50: {  	_ =	shalt  }
0x51: {  	_ =	shalt  }
0x52: {  	_ =	shalt  }
0x53: {  	_ =	shalt  }
0x54: {  	_ =	shalt  }
0x55: {  	_ =	shalt  }
0x56: {  	_ =	shalt  }
0x57: {  	_ =	shalt  }
0x58: {  	_ =	shalt  }
0x59: {  	_ =	shalt  }
0x5a: {  	_ =	shalt  }
0x5b: {  	_ =	shalt  }
0x5c: {  	_ =	shalt  }
0x5d: {  	_ =	shalt  }
0x5e: {  	_ =	shalt  }
0x5f: {  	_ =	shalt  }
0x60: {  	_ =	shalt  }
0x61: {  	_ =	shalt  }
0x62: {  	_ =	shalt  }
0x63: {  	_ =	shalt  }
0x64: {  	_ =	shalt  }
0x65: {  	_ =	shalt  }
0x66: {  	_ =	shalt  }
0x67: {  	_ =	shalt  }
0x68: {  	_ =	shalt  }
0x69: {  	_ =	shalt  }
0x6a: {  	_ =	shalt  }
0x6b: {  	_ =	shalt  }
0x6c: {  	_ =	shalt  }
0x6d: {  	_ =	shalt  }
0x6e: {  	_ =	shalt  }
0x6f: {  	_ =	shalt  }
0x70: {  	_ =	shalt  }
0x71: {  	_ =	shalt  }
0x72: {  	_ =	shalt  }
0x73: {  	_ =	shalt  }
0x74: {  	_ =	shalt  }
0x75: {  	_ =	shalt  }
0x76: {  	_ =	shalt  }
0x77: {  	_ =	shalt  }
0x78: {  	_ =	shalt  }
0x79: {  	_ =	shalt  }
0x7a: {  	_ =	shalt  }
0x7b: {  	_ =	shalt  }
0x7c: {  	_ =	shalt  }
0x7d: {  	_ =	shalt  }
0x7e: {  	_ =	shalt  }
0x7f: {  	_ =	shalt  }
0x80: {  	_ =	shalt  }
0x81: {  	_ =	shalt  }
0x82: {  	_ =	shalt  }
0x83: {  	_ =	shalt  }
0x84: {  	_ =	shalt  }
0x85: {  	_ =	shalt  }
0x86: {  	_ =	shalt  }
0x87: {  	_ =	shalt  }
.Lfunc_end0:
.L_simem_size_0:
called_computation_lowered:
.L_overlay_start_0:
0x88: {  	s2 =	sld [smem:$0x3FD9]  }
0x89: {  	s3 =	sld [smem:$0x3FFE];
	_ =	sdelay $0x1  }
0x8a: {  	s1 =	srdreg.scid  }
0x8b: {  	s0 =	sand.u32 $0x1, s1  }
0x8c: {  	s17 =	sshll.u32 s0, $0xA;
	s2 =	sadd.s32 s3, s2  }
0x8d: {  	s2 =	sadd.s32 s2, s17  }
0x8e: {  	[smem:$0x3FC2] =	sst s2  }
0x8f: {  	_ = 	snop  }
0x90: {  	s2 =	sld [smem:$0x3FC8];
	(tm) =	ssettm $0x1  }
0x91: {  	s18 =	sld [smem:$0x3FFB];
	_ =	sdelay $0x3  }
0x92: {  	_ =	strace s18  }
0x93: {  	s3 =	sld [smem:$0x3FFC];
	_ =	sdelay $0x3  }
0x94: {  	_ =	strace s3  }
0x95: {  	s3 =	sld [smem:$0x3FFD];
	_ =	sdelay $0x3  }
0x96: {  	_ =	strace s3  }
0x97: {  	_ =	strace $0x8FFFFFFF  }
0x98: {  	s19 =	sld [smem:$0x3FDB];
	_ =	sdelay $0x1  }
0x99: {  	s4 =	simm.s32 $_scs_section_size  }
0x9a: {  	s5 =	simm.s32 $_size__tile_overlayer_lowered;
	s6 =	simm.s32 $_tile_overlayer_lowered  }
0x9b: {  	s22 =	simm.s32 $0x1BFF;
	s21 =	sshll.u32 s6, $0x1;
	s3 =	sadd.s32 s4, s19  }
0x9c: {  	s7 =	simm.s32 $0x0;
	s20 =	sshll.u32 s5, $0x1;
	s5 =	sadd.s32 s21, s3  }
0x9d: {  	[timem:s7], [sflag:s22] =	dma.local [hbm:s5], s20  }
0x9e: {  	_ =	swait.ge [sflag:s22], s20  }
0x9f: {  	s4 =	ssub.s32 $0x0, s20;
	[sflag:s22] =	ssyncset.done $0x0  }
0xa0: {  	[sflag:s22] =	ssyncadd.s32 s4;
	_ =	sdelay $0x1  }
0xa1: {  	s23 =	simm.s32 $0x1B8B  }
0xa2: {  	_ =	swait.ge [sflag:s23], $0x1  }
0xa3: {  	[sflag:s23] =	ssyncset.done $0x0  }
0xa4: {  	s25 =	simm.s32 $0x1B8E;
	s24 =	sld [smem:$0x3FFE];
	[sflag:s23] =	ssyncadd.s32 $0xFFFFFFFF  }
0xa5: {  	s26 =	simm.s32 $execute0_lowered;
	[smem:$0x3FD2] =	sst s25  }
0xa6: {  	s5 =	sshll.u32 s26, $0x1;
	_ =	strace $0x80000046;
	[dreg:$0x1] =	wrdreg $0xFFFFFFFF  }
0xa7: {  	s28 =	simm.s32 $_size_execute0_lowered;
	s3 =	sadd.s32 s3, s5;
	[dreg:$0x0] =	wrdreg $0x0  }
0xa8: {  	s5 =	sshll.u32 s28, $0x1;
	[dreg:$0x2] =	wrdreg s3  }
0xa9: {  	[dreg:$0x3] =	wrdreg s5  }
0xaa: {  	[dreg:$0x4] =	wrdreg $0xC0  }
0xab: {  	_ =	task [dreg:s7], $0x5FFFF  }
0xac: {  	[dreg:$0x1] =	wrdreg $0xFFFFFFFF  }
0xad: {  	[dreg:$0x0] =	wrdreg $0x60  }
0xae: {  	[dreg:$0x2] =	wrdreg s24  }
0xaf: {  	[dreg:$0x3] =	wrdreg s2  }
0xb0: {  	[dreg:$0x4] =	wrdreg $0x9  }
0xb1: {  	_ =	task.clear_ibuf [dreg:s7], $0x5FFFF;
	_ =	strace $0x90000046  }
0xb2: {  	s29 =	simm.s32 $0x9;
	_ =	strace $0x80000048  }
0xb3: {  	_ =	swait.ge [sflag:s29], $0x1  }
0xb4: {  	[sflag:s29] =	ssyncadd.s32 $0xFFFFFFFF  }
0xb5: {  	_ =	strace $0x90000048  }
0xb6: {  	_ =	sfence  }
0xb7: {  	s30 =	sld [smem:$0x0];
	_ =	sdelay $0x2  }
0xb8: {  	s31 =	sshll.u32 s1, $0xD;
	s1 =	sshrl.u32 s1, $0x2  }
0xb9: {  	s3 =	sand.u32 $0x4000, s31;
	s1 =	sadd.s32 s1, s30  }
0xba: {  	s0 =	sor.u32 s3, s0;
	s1 =	sshll.u32 s1, $0x11  }
0xbb: {  	s0 =	sor.u32 s1, s0  }
0xbc: {  	s0 =	sadd.s32 $0x8F2B, s0  }
0xbd: {  	[sflag:s0] =	ssyncadd.remote.s32 $0x1  }
0xbe: {  	_ =	sfence.sel $0xFFFF  }
0xbf: {  	[dreg:$0x0] =	wrdreg $0xFFFFFFFF;
	(pc) =	sbr.abs _section_cstart, $3  }
0xc0: {  	[dreg:$0x1] =	wrdreg $0xFFFFFFFF  }
0xc1: {  	_ =	task.clear_ibuf [dreg:s7], $0x2FFFF;
	_ =	strace $0x9FFFFFFF  }
0xc2: {  	(tm) =	ssettm $0x7FFFFFFF  }
0xc3: {  	_ =	shalt  }
tec
execute0_lowered:
.L_overlay_start_1:
0x0: {  	(tag) =	ssettag $0x1  }
0x1: {  	s0 =	rddreg [dreg:$0x0]  }
0x2: {  	s2 =	rddreg [dreg:$0x1];
	s1 =	srdreg.scid  }
0x3: {  	s3 =	simm.s32 $0x0;
	s4 =	stileid.u32;
	s24 =	simm.s32 $0x80  }
0x4: {  	s25 =	simm.s32 $0x100;
	s26 =	simm.s32 $0x180;
	s28 =	simm.s32 $0x2200  }
0x5: {  	s29 =	simm.s32 $0x2A00;
	s30 =	simm.s32 $0x3200;
	s31 =	simm.s32 $0x3A00  }
0x6: {  	s12 =	simm.s32 $0x6200;
	s13 =	simm.s32 $0x6A00;
	s14 =	simm.s32 $0x7200  }
0x7: {  	s1 =	sand.u32 $0x1, s1;
	[smem:$0x7FF] =	sst s3;
	s4 =	sshll.u32 s4, $0x8  }
0x8: {  	s6 =	sadd.s32 $0x1200, s0;
	_ =	strace $0x80000047;
	[dreg:$0xb] =	wrdreg s24  }
0x9: {  	s0 =	sadd.s32 $0x1400, s0;
	s5 =	sshll.u32 s1, $0x7;
	[dreg:$0xc] =	wrdreg s25  }
0xa: {  	s1 =	ssub.s32 $0x2, s1;
	[dreg:$0xd] =	wrdreg s26;
	s25 =	simm.s32 $0x200  }
0xb: {  	s24 =	simm.s32 $0x1200;
	s26 =	simm.s32 $0x1A00;
	s4 =	sor.u32 s5, s4  }
0xc: {  	s7 =	sshrl.u32 s1, $0x1;
	s5 =	sshrl.u32 s4, $0x3;
	s8 =	sor.u32 $0x20, s4  }
0xd: {  	s9 =	sor.u32 $0x40, s4;
	s11 =	sor.u32 $0x60, s4;
	s4 =	sshll.u32 s4, $0x7  }
0xe: {  	s1 =	ssub.s32 s1, s7;
	s5 =	sadd.s32 s6, s5;
	s15 =	sshrl.u32 s8, $0x3  }
0xf: {  	s10 =	sshrl.u32 s9, $0x3;
	s17 =	sshrl.u32 s11, $0x3;
	s4 =	sadd.s32 s0, s4  }
0x10: {  	s19 =	sshll.u32 s8, $0x7;
	s21 =	sshll.u32 s9, $0x7;
	s23 =	sshll.u32 s11, $0x7  }
0x11: {  	s7 =	smax.u32 s1, $0x1;
	s8 =	simm.s32 $0x5;
	[dreg:$0x3] =	wrdreg s5  }
0x12: {  	s1 =	simm.s32 $0x3;
	s5 =	sadd.s32 s6, s15;
	[dreg:$0x7] =	wrdreg s4  }
0x13: {  	s16 =	sadd.s32 s6, s10;
	s18 =	sadd.s32 s6, s17;
	[dreg:$0x4] =	wrdreg s5  }
0x14: {  	s20 =	sadd.s32 s0, s19;
	s22 =	sadd.s32 s0, s21;
	[dreg:$0x5] =	wrdreg s16  }
0x15: {  	s0 =	sadd.s32 s0, s23;
	s4 =	sadd.s32 $0x100, s2;
	[dreg:$0x6] =	wrdreg s18  }
0x16: {  	s6 =	sadd.s32 $0x300, s2;
	s15 =	simm.s32 $0x7A00;
	[dreg:$0x8] =	wrdreg s20  }
0x17: {  	v2 =	vlaneseq.u32;
	s17 =	simm.s32 $0x9200;
	s19 =	simm.s32 $0xA200;
	[dreg:$0x9] =	wrdreg s22  }
0x18: {  	vm0 =	vmmov $0xffff;
	v1 =	vshrl.u32 v2, $0x3;
	s21 =	simm.s32 $0xB200;
	[dreg:$0xa] =	wrdreg s0;
	s5 =	sadd.s32 $0x200, s2  }
0x19: {  	v0 =	vand.u32 $0x7, v2;
	v2 =	vor.u32 $0x8, v2;
	v1 =	vmul.u32 $0x8, v1;
	s16 =	simm.s32 $0x4A00;
	s18 =	simm.s32 $0x8200;
	s20 =	simm.s32 $0xAA00  }
.LBB2_1:
0x1a: {  	s22 =	rddreg [dreg:$0x3]  }
0x1b: {  	[tilespmem:s3], [sflag:$0x5] =	stream.linear.gather [hbm4b:s22+s3], $0x20, $0x38;
	[tilespmem:$0x10200] =	vst v63  }
0x1c: {  	_ =	swait.ge [sflag:s8], $0x20  }
0x1d: {  	s11 =	rddreg [dreg:$0x4];
	[sflag:s8] =	ssyncset.done $0x0  }
0x1e: {  	s23 =	rddreg [dreg:$0xb];
	[sflag:s8] =	ssyncadd.s32 $0xFFFFFFE0  }
0x1f: {  	[tilespmem:s23], [sflag:$0x5] =	stream.linear.gather [hbm4b:s11+s3], $0x20, $0x38;
	[tilespmem:$0x10200] =	vst v63  }
0x20: {  	_ =	swait.ge [sflag:s8], $0x20  }
0x21: {  	s0 =	rddreg [dreg:$0x5];
	[sflag:s8] =	ssyncset.done $0x0  }
0x22: {  	s9 =	rddreg [dreg:$0xc];
	[sflag:s8] =	ssyncadd.s32 $0xFFFFFFE0  }
0x23: {  	[tilespmem:s9], [sflag:$0x5] =	stream.linear.gather [hbm4b:s0+s3], $0x20, $0x38;
	[tilespmem:$0x10200] =	vst v63  }
0x24: {  	_ =	swait.ge [sflag:s8], $0x20  }
0x25: {  	s10 =	rddreg [dreg:$0x6];
	[sflag:s8] =	ssyncset.done $0x0  }
0x26: {  	s11 =	rddreg [dreg:$0xd];
	[sflag:s8] =	ssyncadd.s32 $0xFFFFFFE0  }
0x27: {  	[tilespmem:s11], [sflag:$0x5] =	stream.linear.gather [hbm4b:s10+s3], $0x20, $0x38;
	[tilespmem:$0x10200] =	vst v63  }
0x28: {  	_ =	swait.ge [sflag:s8], $0x20  }
0x29: {  	[sflag:s8] =	ssyncset.done $0x0  }
0x2a: {  	[sflag:s8] =	ssyncadd.s32 $0xFFFFFFE0  }
0x2b: {  	v3 =	vld [tilespmem:$0x0];
	_ =	sdelay $0x4  }
0x2c: {  	v4 =	vshll.u32 v3, $0x3  }
0x2d: {  	v3 =	vand.u32 $0x7, v3;
	v4 =	vand.u32 $0xFFFFFFC0, v4  }
0x2e: {  	v3 =	vor.u32 v3, v4  }
0x2f: {  	v4 =	vperm.xlane v3, v0;
	_ =	sdelay $0x1  }
0x30: {  	v4 =	vadd.s32 v1, v4;
	_ =	sdelay $0x4  }
0x31: {  	[tilespmem:s25], [sflag:$0x1] =	stream.indirect_vreg.gather [hbm4b:s2+s3], $0x80, v4, vm0, $0xb8;
	[tilespmem:$0x10200] =	vst v63  }
0x32: {  	s23 =	simm.s32 $0xA00;
	v3 =	vperm.xlane v3, v2  }
0x33: {  	[tilespmem:s23], [sflag:$0x1] =	stream.indirect_vreg.gather [hbm4b:s4+s3], $0x80, v4, vm0, $0xb8;
	[tilespmem:$0x10200] =	vst v63  }
0x34: {  	v3 =	vadd.s32 v1, v3  }
0x35: {  	[tilespmem:s24], [sflag:$0x1] =	stream.indirect_vreg.gather [hbm4b:s5+s3], $0x80, v4, vm0, $0xb8;
	[tilespmem:$0x10200] =	vst v63  }
0x36: {  	_ = 	snop  }
0x37: {  	[tilespmem:s26], [sflag:$0x1] =	stream.indirect_vreg.gather [hbm4b:s6+s3], $0x80, v4, vm0, $0xb8;
	[tilespmem:$0x10200] =	vst v63  }
0x38: {  	_ = 	snop  }
0x39: {  	[tilespmem:s28], [sflag:$0x1] =	stream.indirect_vreg.gather [hbm4b:s2+s3], $0x80, v3, vm0, $0xb8;
	[tilespmem:$0x10200] =	vst v63  }
0x3a: {  	_ = 	snop  }
0x3b: {  	[tilespmem:s29], [sflag:$0x1] =	stream.indirect_vreg.gather [hbm4b:s4+s3], $0x80, v3, vm0, $0xb8;
	[tilespmem:$0x10200] =	vst v63  }
0x3c: {  	_ = 	snop  }
0x3d: {  	[tilespmem:s30], [sflag:$0x1] =	stream.indirect_vreg.gather [hbm4b:s5+s3], $0x80, v3, vm0, $0xb8;
	[tilespmem:$0x10200] =	vst v63  }
0x3e: {  	_ = 	snop  }
0x3f: {  	[tilespmem:s31], [sflag:$0x1] =	stream.indirect_vreg.gather [hbm4b:s6+s3], $0x80, v3, vm0, $0xb8;
	[tilespmem:$0x10200] =	vst v63  }
0x40: {  	v3 =	vld [tilespmem:$0x10];
	_ =	sdelay $0x4  }
0x41: {  	v57 =	vshll.u32 v3, $0x3  }
0x42: {  	v3 =	vand.u32 $0x7, v3;
	v4 =	vand.u32 $0xFFFFFFC0, v57  }
0x43: {  	v3 =	vor.u32 v3, v4  }
0x44: {  	v4 =	vperm.xlane v3, v0;
	_ =	sdelay $0x1  }
0x45: {  	v4 =	vadd.s32 v1, v4;
	_ =	sdelay $0x3  }
0x46: {  	s9 =	simm.s32 $0x4200  }
0x47: {  	[tilespmem:s9], [sflag:$0x1] =	stream.indirect_vreg.gather [hbm4b:s2+s3], $0x80, v4, vm0, $0xb8;
	[tilespmem:$0x10200] =	vst v63  }
0x48: {  	v3 =	vperm.xlane v3, v2  }
0x49: {  	[tilespmem:s16], [sflag:$0x1] =	stream.indirect_vreg.gather [hbm4b:s4+s3], $0x80, v4, vm0, $0xb8;
	[tilespmem:$0x10200] =	vst v63  }
0x4a: {  	s10 =	simm.s32 $0x5200;
	v3 =	vadd.s32 v1, v3  }
0x4b: {  	[tilespmem:s10], [sflag:$0x1] =	stream.indirect_vreg.gather [hbm4b:s5+s3], $0x80, v4, vm0, $0xb8;
	[tilespmem:$0x10200] =	vst v63  }
0x4c: {  	s11 =	simm.s32 $0x5A00  }
0x4d: {  	[tilespmem:s11], [sflag:$0x1] =	stream.indirect_vreg.gather [hbm4b:s6+s3], $0x80, v4, vm0, $0xb8;
	[tilespmem:$0x10200] =	vst v63  }
0x4e: {  	_ = 	snop  }
0x4f: {  	[tilespmem:s12], [sflag:$0x1] =	stream.indirect_vreg.gather [hbm4b:s2+s3], $0x80, v3, vm0, $0xb8;
	[tilespmem:$0x10200] =	vst v63  }
0x50: {  	_ = 	snop  }
0x51: {  	[tilespmem:s13], [sflag:$0x1] =	stream.indirect_vreg.gather [hbm4b:s4+s3], $0x80, v3, vm0, $0xb8;
	[tilespmem:$0x10200] =	vst v63  }
0x52: {  	_ = 	snop  }
0x53: {  	[tilespmem:s14], [sflag:$0x1] =	stream.indirect_vreg.gather [hbm4b:s5+s3], $0x80, v3, vm0, $0xb8;
	[tilespmem:$0x10200] =	vst v63  }
0x54: {  	_ = 	snop  }
0x55: {  	[tilespmem:s15], [sflag:$0x1] =	stream.indirect_vreg.gather [hbm4b:s6+s3], $0x80, v3, vm0, $0xb8;
	[tilespmem:$0x10200] =	vst v63  }
0x56: {  	v3 =	vld [tilespmem:$0x80];
	_ =	sdelay $0x4  }
0x57: {  	v58 =	vshll.u32 v3, $0x3  }
0x58: {  	v3 =	vand.u32 $0x7, v3;
	v4 =	vand.u32 $0xFFFFFFC0, v58  }
0x59: {  	v3 =	vor.u32 v3, v4  }
0x5a: {  	v4 =	vperm.xlane v3, v0;
	_ =	sdelay $0x1  }
0x5b: {  	v4 =	vadd.s32 v1, v4;
	_ =	sdelay $0x4  }
0x5c: {  	[tilespmem:s18], [sflag:$0x2] =	stream.indirect_vreg.gather [hbm4b:s2+s3], $0x80, v4, vm0, $0xb8;
	[tilespmem:$0x10200] =	vst v63  }
0x5d: {  	s0 =	simm.s32 $0x8A00;
	v3 =	vperm.xlane v3, v2  }
0x5e: {  	[tilespmem:s0], [sflag:$0x2] =	stream.indirect_vreg.gather [hbm4b:s4+s3], $0x80, v4, vm0, $0xb8;
	[tilespmem:$0x10200] =	vst v63  }
0x5f: {  	v3 =	vadd.s32 v1, v3  }
0x60: {  	[tilespmem:s17], [sflag:$0x2] =	stream.indirect_vreg.gather [hbm4b:s5+s3], $0x80, v4, vm0, $0xb8;
	[tilespmem:$0x10200] =	vst v63  }
0x61: {  	s22 =	simm.s32 $0x9A00  }
0x62: {  	[tilespmem:s22], [sflag:$0x2] =	stream.indirect_vreg.gather [hbm4b:s6+s3], $0x80, v4, vm0, $0xb8;
	[tilespmem:$0x10200] =	vst v63  }
0x63: {  	_ = 	snop  }
0x64: {  	[tilespmem:s19], [sflag:$0x2] =	stream.indirect_vreg.gather [hbm4b:s2+s3], $0x80, v3, vm0, $0xb8;
	[tilespmem:$0x10200] =	vst v63  }
0x65: {  	_ = 	snop  }
0x66: {  	[tilespmem:s20], [sflag:$0x2] =	stream.indirect_vreg.gather [hbm4b:s4+s3], $0x80, v3, vm0, $0xb8;
	[tilespmem:$0x10200] =	vst v63  }
0x67: {  	_ = 	snop  }
0x68: {  	[tilespmem:s21], [sflag:$0x2] =	stream.indirect_vreg.gather [hbm4b:s5+s3], $0x80, v3, vm0, $0xb8;
	[tilespmem:$0x10200] =	vst v63  }
0x69: {  	s22 =	simm.s32 $0xBA00  }
0x6a: {  	[tilespmem:s22], [sflag:$0x2] =	stream.indirect_vreg.gather [hbm4b:s6+s3], $0x80, v3, vm0, $0xb8;
	[tilespmem:$0x10200] =	vst v63  }
0x6b: {  	v3 =	vld [tilespmem:$0x90];
	_ =	sdelay $0x4  }
0x6c: {  	v59 =	vshll.u32 v3, $0x3  }
0x6d: {  	v3 =	vand.u32 $0x7, v3;
	v4 =	vand.u32 $0xFFFFFFC0, v59  }
0x6e: {  	v3 =	vor.u32 v3, v4  }
0x6f: {  	v4 =	vperm.xlane v3, v0;
	_ =	sdelay $0x1  }
0x70: {  	v4 =	vadd.s32 v1, v4;
	_ =	sdelay $0x3  }
0x71: {  	s22 =	simm.s32 $0xC200  }
0x72: {  	[tilespmem:s22], [sflag:$0x2] =	stream.indirect_vreg.gather [hbm4b:s2+s3], $0x80, v4, vm0, $0xb8;
	[tilespmem:$0x10200] =	vst v63  }
0x73: {  	v3 =	vperm.xlane v3, v2;
	s22 =	simm.s32 $0xCA00  }
0x74: {  	[tilespmem:s22], [sflag:$0x2] =	stream.indirect_vreg.gather [hbm4b:s4+s3], $0x80, v4, vm0, $0xb8;
	[tilespmem:$0x10200] =	vst v63  }
0x75: {  	v3 =	vadd.s32 v1, v3;
	s22 =	simm.s32 $0xD200  }
0x76: {  	[tilespmem:s22], [sflag:$0x2] =	stream.indirect_vreg.gather [hbm4b:s5+s3], $0x80, v4, vm0, $0xb8;
	[tilespmem:$0x10200] =	vst v63  }
0x77: {  	s22 =	simm.s32 $0xDA00  }
0x78: {  	[tilespmem:s22], [sflag:$0x2] =	stream.indirect_vreg.gather [hbm4b:s6+s3], $0x80, v4, vm0, $0xb8;
	[tilespmem:$0x10200] =	vst v63  }
0x79: {  	s22 =	simm.s32 $0xE200  }
0x7a: {  	[tilespmem:s22], [sflag:$0x2] =	stream.indirect_vreg.gather [hbm4b:s2+s3], $0x80, v3, vm0, $0xb8;
	[tilespmem:$0x10200] =	vst v63  }
0x7b: {  	s22 =	simm.s32 $0xEA00  }
0x7c: {  	[tilespmem:s22], [sflag:$0x2] =	stream.indirect_vreg.gather [hbm4b:s4+s3], $0x80, v3, vm0, $0xb8;
	[tilespmem:$0x10200] =	vst v63  }
0x7d: {  	s22 =	simm.s32 $0xF200  }
0x7e: {  	[tilespmem:s22], [sflag:$0x2] =	stream.indirect_vreg.gather [hbm4b:s5+s3], $0x80, v3, vm0, $0xb8;
	[tilespmem:$0x10200] =	vst v63  }
0x7f: {  	s0 =	simm.s32 $0x1;
	s22 =	simm.s32 $0xFA00  }
0x80: {  	[tilespmem:s22], [sflag:$0x2] =	stream.indirect_vreg.gather [hbm4b:s6+s3], $0x80, v3, vm0, $0xb8;
	[tilespmem:$0x10200] =	vst v63  }
0x81: {  	_ =	swait.ge [sflag:s0], $0x8000  }
0x82: {  	[sflag:s0] =	ssyncset.done $0x0  }
0x83: {  	s22 =	rddreg [dreg:$0x7];
	[sflag:s0] =	ssyncadd.s32 $0xFFFF8000  }
0x84: {  	[hbm4b:s22+s3] =	stream.linear.scatter [tilespmem:s25], [sflag:$0x3], $0x8000, $0x38;
	[tilespmem:$0x10200] =	vst v63  }
0x85: {  	_ =	swait.ge [sflag:s1], $0x8000  }
0x86: {  	[sflag:s1] =	ssyncset.done $0x0  }
0x87: {  	[sflag:s1] =	ssyncadd.s32 $0xFFFF8000  }
0x88: {  	v3 =	vld [tilespmem:$0x100];
	_ =	sdelay $0x4  }
0x89: {  	v60 =	vshll.u32 v3, $0x3  }
0x8a: {  	v3 =	vand.u32 $0x7, v3;
	v4 =	vand.u32 $0xFFFFFFC0, v60  }
0x8b: {  	v3 =	vor.u32 v3, v4  }
0x8c: {  	v4 =	vperm.xlane v3, v0;
	_ =	sdelay $0x1  }
0x8d: {  	v4 =	vadd.s32 v1, v4;
	_ =	sdelay $0x4  }
0x8e: {  	[tilespmem:s25], [sflag:$0x1] =	stream.indirect_vreg.gather [hbm4b:s2+s3], $0x80, v4, vm0, $0xb8;
	[tilespmem:$0x10200] =	vst v63  }
0x8f: {  	v3 =	vperm.xlane v3, v2  }
0x90: {  	[tilespmem:s23], [sflag:$0x1] =	stream.indirect_vreg.gather [hbm4b:s4+s3], $0x80, v4, vm0, $0xb8;
	[tilespmem:$0x10200] =	vst v63  }
0x91: {  	v3 =	vadd.s32 v1, v3  }
0x92: {  	[tilespmem:s24], [sflag:$0x1] =	stream.indirect_vreg.gather [hbm4b:s5+s3], $0x80, v4, vm0, $0xb8;
	[tilespmem:$0x10200] =	vst v63  }
0x93: {  	_ = 	snop  }
0x94: {  	[tilespmem:s26], [sflag:$0x1] =	stream.indirect_vreg.gather [hbm4b:s6+s3], $0x80, v4, vm0, $0xb8;
	[tilespmem:$0x10200] =	vst v63  }
0x95: {  	_ = 	snop  }
0x96: {  	[tilespmem:s28], [sflag:$0x1] =	stream.indirect_vreg.gather [hbm4b:s2+s3], $0x80, v3, vm0, $0xb8;
	[tilespmem:$0x10200] =	vst v63  }
0x97: {  	_ = 	snop  }
0x98: {  	[tilespmem:s29], [sflag:$0x1] =	stream.indirect_vreg.gather [hbm4b:s4+s3], $0x80, v3, vm0, $0xb8;
	[tilespmem:$0x10200] =	vst v63  }
0x99: {  	_ = 	snop  }
0x9a: {  	[tilespmem:s30], [sflag:$0x1] =	stream.indirect_vreg.gather [hbm4b:s5+s3], $0x80, v3, vm0, $0xb8;
	[tilespmem:$0x10200] =	vst v63  }
0x9b: {  	_ = 	snop  }
0x9c: {  	[tilespmem:s31], [sflag:$0x1] =	stream.indirect_vreg.gather [hbm4b:s6+s3], $0x80, v3, vm0, $0xb8;
	[tilespmem:$0x10200] =	vst v63  }
0x9d: {  	v3 =	vld [tilespmem:$0x110];
	_ =	sdelay $0x4  }
0x9e: {  	v61 =	vshll.u32 v3, $0x3  }
0x9f: {  	v3 =	vand.u32 $0x7, v3;
	v4 =	vand.u32 $0xFFFFFFC0, v61  }
0xa0: {  	v3 =	vor.u32 v3, v4  }
0xa1: {  	v4 =	vperm.xlane v3, v0;
	_ =	sdelay $0x1  }
0xa2: {  	v4 =	vadd.s32 v1, v4;
	_ =	sdelay $0x4  }
0xa3: {  	[tilespmem:s9], [sflag:$0x1] =	stream.indirect_vreg.gather [hbm4b:s2+s3], $0x80, v4, vm0, $0xb8;
	[tilespmem:$0x10200] =	vst v63  }
0xa4: {  	v3 =	vperm.xlane v3, v2  }
0xa5: {  	[tilespmem:s16], [sflag:$0x1] =	stream.indirect_vreg.gather [hbm4b:s4+s3], $0x80, v4, vm0, $0xb8;
	[tilespmem:$0x10200] =	vst v63  }
0xa6: {  	v3 =	vadd.s32 v1, v3  }
0xa7: {  	[tilespmem:s10], [sflag:$0x1] =	stream.indirect_vreg.gather [hbm4b:s5+s3], $0x80, v4, vm0, $0xb8;
	[tilespmem:$0x10200] =	vst v63  }
0xa8: {  	_ = 	snop  }
0xa9: {  	[tilespmem:s11], [sflag:$0x1] =	stream.indirect_vreg.gather [hbm4b:s6+s3], $0x80, v4, vm0, $0xb8;
	[tilespmem:$0x10200] =	vst v63  }
0xaa: {  	_ = 	snop  }
0xab: {  	[tilespmem:s12], [sflag:$0x1] =	stream.indirect_vreg.gather [hbm4b:s2+s3], $0x80, v3, vm0, $0xb8;
	[tilespmem:$0x10200] =	vst v63  }
0xac: {  	_ = 	snop  }
0xad: {  	[tilespmem:s13], [sflag:$0x1] =	stream.indirect_vreg.gather [hbm4b:s4+s3], $0x80, v3, vm0, $0xb8;
	[tilespmem:$0x10200] =	vst v63  }
0xae: {  	_ = 	snop  }
0xaf: {  	[tilespmem:s14], [sflag:$0x1] =	stream.indirect_vreg.gather [hbm4b:s5+s3], $0x80, v3, vm0, $0xb8;
	[tilespmem:$0x10200] =	vst v63  }
0xb0: {  	s9 =	simm.s32 $0x2  }
0xb1: {  	[tilespmem:s15], [sflag:$0x1] =	stream.indirect_vreg.gather [hbm4b:s6+s3], $0x80, v3, vm0, $0xb8;
	[tilespmem:$0x10200] =	vst v63  }
0xb2: {  	_ =	swait.ge [sflag:s9], $0x8000  }
0xb3: {  	[sflag:s9] =	ssyncset.done $0x0  }
0xb4: {  	s10 =	simm.s32 $0x4;
	s11 =	rddreg [dreg:$0x8];
	[sflag:s9] =	ssyncadd.s32 $0xFFFF8000  }
0xb5: {  	[hbm4b:s11+s3] =	stream.linear.scatter [tilespmem:s18], [sflag:$0x4], $0x8000, $0x38;
	[tilespmem:$0x10200] =	vst v63  }
0xb6: {  	_ =	swait.ge [sflag:s10], $0x8000  }
0xb7: {  	[sflag:s10] =	ssyncset.done $0x0  }
0xb8: {  	[sflag:s10] =	ssyncadd.s32 $0xFFFF8000  }
0xb9: {  	v3 =	vld [tilespmem:$0x180];
	_ =	sdelay $0x4  }
0xba: {  	v62 =	vshll.u32 v3, $0x3  }
0xbb: {  	v3 =	vand.u32 $0x7, v3;
	v4 =	vand.u32 $0xFFFFFFC0, v62  }
0xbc: {  	v3 =	vor.u32 v3, v4  }
0xbd: {  	v4 =	vperm.xlane v3, v0;
	_ =	sdelay $0x1  }
0xbe: {  	v4 =	vadd.s32 v1, v4;
	_ =	sdelay $0x4  }
0xbf: {  	[tilespmem:s18], [sflag:$0x2] =	stream.indirect_vreg.gather [hbm4b:s2+s3], $0x80, v4, vm0, $0xb8;
	[tilespmem:$0x10200] =	vst v63  }
0xc0: {  	s23 =	simm.s32 $0x8A00;
	v3 =	vperm.xlane v3, v2  }
0xc1: {  	[tilespmem:s23], [sflag:$0x2] =	stream.indirect_vreg.gather [hbm4b:s4+s3], $0x80, v4, vm0, $0xb8;
	[tilespmem:$0x10200] =	vst v63  }
0xc2: {  	v3 =	vadd.s32 v1, v3  }
0xc3: {  	[tilespmem:s17], [sflag:$0x2] =	stream.indirect_vreg.gather [hbm4b:s5+s3], $0x80, v4, vm0, $0xb8;
	[tilespmem:$0x10200] =	vst v63  }
0xc4: {  	s22 =	simm.s32 $0x9A00  }
0xc5: {  	[tilespmem:s22], [sflag:$0x2] =	stream.indirect_vreg.gather [hbm4b:s6+s3], $0x80, v4, vm0, $0xb8;
	[tilespmem:$0x10200] =	vst v63  }
0xc6: {  	_ = 	snop  }
0xc7: {  	[tilespmem:s19], [sflag:$0x2] =	stream.indirect_vreg.gather [hbm4b:s2+s3], $0x80, v3, vm0, $0xb8;
	[tilespmem:$0x10200] =	vst v63  }
0xc8: {  	_ = 	snop  }
0xc9: {  	[tilespmem:s20], [sflag:$0x2] =	stream.indirect_vreg.gather [hbm4b:s4+s3], $0x80, v3, vm0, $0xb8;
	[tilespmem:$0x10200] =	vst v63  }
0xca: {  	_ = 	snop  }
0xcb: {  	[tilespmem:s21], [sflag:$0x2] =	stream.indirect_vreg.gather [hbm4b:s5+s3], $0x80, v3, vm0, $0xb8;
	[tilespmem:$0x10200] =	vst v63  }
0xcc: {  	s23 =	simm.s32 $0xBA00  }
0xcd: {  	[tilespmem:s23], [sflag:$0x2] =	stream.indirect_vreg.gather [hbm4b:s6+s3], $0x80, v3, vm0, $0xb8;
	[tilespmem:$0x10200] =	vst v63  }
0xce: {  	v3 =	vld [tilespmem:$0x190];
	_ =	sdelay $0x4  }
0xcf: {  	v63 =	vshll.u32 v3, $0x3  }
0xd0: {  	v3 =	vand.u32 $0x7, v3;
	v4 =	vand.u32 $0xFFFFFFC0, v63  }
0xd1: {  	v3 =	vor.u32 v3, v4  }
0xd2: {  	v4 =	vperm.xlane v3, v0;
	_ =	sdelay $0x1  }
0xd3: {  	v4 =	vadd.s32 v1, v4;
	_ =	sdelay $0x3  }
0xd4: {  	s22 =	simm.s32 $0xC200  }
0xd5: {  	[tilespmem:s22], [sflag:$0x2] =	stream.indirect_vreg.gather [hbm4b:s2+s3], $0x80, v4, vm0, $0xb8;
	[tilespmem:$0x10200] =	vst v63  }
0xd6: {  	s23 =	simm.s32 $0xCA00;
	v3 =	vperm.xlane v3, v2  }
0xd7: {  	[tilespmem:s23], [sflag:$0x2] =	stream.indirect_vreg.gather [hbm4b:s4+s3], $0x80, v4, vm0, $0xb8;
	[tilespmem:$0x10200] =	vst v63  }
0xd8: {  	v3 =	vadd.s32 v1, v3;
	s22 =	simm.s32 $0xD200  }
0xd9: {  	[tilespmem:s22], [sflag:$0x2] =	stream.indirect_vreg.gather [hbm4b:s5+s3], $0x80, v4, vm0, $0xb8;
	[tilespmem:$0x10200] =	vst v63  }
0xda: {  	s23 =	simm.s32 $0xDA00  }
0xdb: {  	[tilespmem:s23], [sflag:$0x2] =	stream.indirect_vreg.gather [hbm4b:s6+s3], $0x80, v4, vm0, $0xb8;
	[tilespmem:$0x10200] =	vst v63  }
0xdc: {  	s22 =	simm.s32 $0xE200  }
0xdd: {  	[tilespmem:s22], [sflag:$0x2] =	stream.indirect_vreg.gather [hbm4b:s2+s3], $0x80, v3, vm0, $0xb8;
	[tilespmem:$0x10200] =	vst v63  }
0xde: {  	s23 =	simm.s32 $0xEA00  }
0xdf: {  	[tilespmem:s23], [sflag:$0x2] =	stream.indirect_vreg.gather [hbm4b:s4+s3], $0x80, v3, vm0, $0xb8;
	[tilespmem:$0x10200] =	vst v63  }
0xe0: {  	s22 =	simm.s32 $0xF200  }
0xe1: {  	[tilespmem:s22], [sflag:$0x2] =	stream.indirect_vreg.gather [hbm4b:s5+s3], $0x80, v3, vm0, $0xb8;
	[tilespmem:$0x10200] =	vst v63  }
0xe2: {  	s23 =	simm.s32 $0xFA00  }
0xe3: {  	[tilespmem:s23], [sflag:$0x2] =	stream.indirect_vreg.gather [hbm4b:s6+s3], $0x80, v3, vm0, $0xb8;
	[tilespmem:$0x10200] =	vst v63  }
0xe4: {  	_ =	swait.ge [sflag:s0], $0x8000  }
0xe5: {  	[sflag:s0] =	ssyncset.done $0x0  }
0xe6: {  	s11 =	rddreg [dreg:$0x9];
	[sflag:s0] =	ssyncadd.s32 $0xFFFF8000  }
0xe7: {  	[hbm4b:s11+s3] =	stream.linear.scatter [tilespmem:s25], [sflag:$0x3], $0x8000, $0x38;
	[tilespmem:$0x10200] =	vst v63  }
0xe8: {  	_ =	swait.ge [sflag:s9], $0x8000  }
0xe9: {  	[sflag:s9] =	ssyncset.done $0x0  }
0xea: {  	s23 =	rddreg [dreg:$0xa];
	[sflag:s9] =	ssyncadd.s32 $0xFFFF8000  }
0xeb: {  	[hbm4b:s23+s3] =	stream.linear.scatter [tilespmem:s18], [sflag:$0x4], $0x8000, $0x38;
	[tilespmem:$0x10200] =	vst v63  }
0xec: {  	p0 =	sne.s32 s7, $0x1;
	_ =	swait.ge [sflag:s1], $0x8000  }
.Ltmp0:
0xed: {  	[sflag:s1] =	ssyncset.done $0x0;
	(pc) =	sbr.rel @p0 .LBB2_1-.Ltmp0, $4  }
0xee: {  	[sflag:s1] =	ssyncadd.s32 $0xFFFF8000  }
0xef: {  	_ =	swait.ge [sflag:s10], $0x8000  }
0xf0: {  	[sflag:s10] =	ssyncset.done $0x0  }
0xf1: {  	s7 =	sadd.s32 $0xFFFFFFFF, s7;
	[sflag:s10] =	ssyncadd.s32 $0xFFFF8000  }
0xf2: {  	_ =	sfence.sel $0x180000  }
0xf3: {  	[bflag:$0x0] =	sbarrier.arrive $0xFFFF  }
0xf4: {  	_ =	strace $0x90000047  }
0xf5: {  	s0 =	stileid.u32;
	[bflag:$0x2] =	sbarrier.arrive $0xFFFF  }
0xf6: {  	p0 =	sne.s32 s0, $0x0;
	s0 =	rddreg [dreg:$0x2]  }
0xf7: {  	s0 =	sadd.s32 @!p0 $0x100000, s0  }
0xf8: {  	[sflag:s0] =	ssyncadd.tile.s32 @!p0 $0x1;
	_ =	shalt  }
.Lfunc_end2:
_tile_overlayer_lowered:
.L_overlay_start_2:
0xf9: {  	(tag) =	ssettag $0x2  }
0xfa: {  	s0 =	rddreg [dreg:$0x0];
	s2 =	stileid.u32  }
0xfb: {  	s1 =	rddreg [dreg:$0x1];
	p0 =	sne.s32 s2, $0x0  }
0xfc: {  	s3 =	rddreg [dreg:$0x2];
	[bflag:$0x3] =	sbarrier.arrive $0xFFFF;
	s2 =	simm.s32 @!p0 $0x1C05  }
0xfd: {  	[timem:s3], [sflag:s2] =	dma.local @!p0 [hbm:s0], s1  }
0xfe: {  	s0 =	simm.s32 @!p0 $0x5  }
0xff: {  	_ =	swait.ge @!p0 [sflag:s0], s1  }
0x100: {  	s1 =	ssub.s32 @!p0 $0x0, s1;
	[sflag:s0] =	ssyncset.done @!p0 $0x0  }
0x101: {  	[sflag:s0] =	ssyncadd.s32 @!p0 s1  }
0x102: {  	[bflag:$0x3] =	sbarrier.arrive $0xFFFF  }
0x103: {  	_ =	shalt  }

// kernel: kernel.9.cloned.1.call-start
scs
__scs_entry_jumppad:
0x0: {  	(pc) =	sbr.rel $0x88, $3  }
0x1: {  	(tag) =	ssettag $0x0;
	lr =	simm.s32 $0x1  }
0x2: {  	[smem:$0x3F9B] =	sst lr;
	_ =	strace $0xD0000000  }
0x3: {  	_ = 	snop  }
0x4: {  	_ = 	snop  }
0x5: {  	_ = 	snop  }
0x6: {  	_ = 	snop  }
0x7: {  	_ = 	snop  }
__scs_overlays_trampoline_lowered:
0x8: {  	[smem:$0x3FAA] =	sst s0  }
0x9: {  	[smem:$0x3FAB] =	sst s1  }
0xa: {  	[smem:$0x3FAC] =	sst s2  }
0xb: {  	[smem:$0x3FAD] =	sst s3  }
0xc: {  	[smem:$0x3FAE] =	sst s4  }
0xd: {  	[smem:$0x3FAF] =	sst s5  }
0xe: {  	[smem:$0x3FB0] =	sst s6  }
0xf: {  	[smem:$0x3FB1] =	sst s7  }
0x10: {  	[smem:$0x3FB2] =	sst s8  }
0x11: {  	[smem:$0x3FB3] =	sst s9;
	s0 =	simm.s32 @!p0 $0x0  }
0x12: {  	s1 =	sld [smem:$0x3F99];
	s0 =	simm.s32 @p0 $0x1  }
0x13: {  	[smem:$0x3FB4] =	sst s0;
	s0 =	simm.s32 @!p1 $0x0  }
0x14: {  	s2 =	sld [smem:$0x3F98];
	s0 =	simm.s32 @p1 $0x1  }
0x15: {  	[smem:$0x3FB5] =	sst s0;
	s0 =	simm.s32 @!p2 $0x0  }
0x16: {  	s3 =	sld [smem:$0x3FDB];
	s0 =	simm.s32 @p2 $0x1  }
0x17: {  	s4 =	simm.s32 $0x1BF5;
	[smem:$0x3FB7] =	sst s0  }
0x18: {  	s0 =	sld [smem:$0x3F9A];
	_ =	swait.ge [sflag:s4], $0x0  }
0x19: {  	s7 =	sld [smem:$0x3F9B]  }
0x1a: {  	s8 =	sadd.s32 $0xFFFFE003, lr  }
0x1b: {  	s9 =	sadd.s32 $0xFFFFFEF7, lr;
	s5 =	simm.s32 $0xFFFFFFFF;
	p2 =	slt.u32 s8, $0xFFFFF086  }
0x1c: {  	p1 =	slt.u32 s9, $0xF7A;
	s5 =	simm.s32 @!p2 $0x0  }
0x1d: {  	s5 =	simm.s32 @p1 $0x1;
	p0 =	seq.s32 s7, s2  }
0x1e: {  	s7 =	smul.u32 @!p0 $0xF7A, s2;
	p2 =	seq.s32 @!p0 s5, $0x0  }
0x1f: {  	s9 =	smul.u32 $0xF7A, s1;
	s8 =	simm.s32 @!p0 $0x1BF5;
	p2 =	por !p2, p0  }
0x20: {  	[sflag:s8] =	ssyncset.s32 @!p0 $0xFFFFF086;
	s6 =	sadd.s32 @!p0 s3, s7;
	s7 =	simm.s32 @!p0 $0x108  }
0x21: {  	s3 =	sadd.s32 s3, s9;
	s6 =	sadd.s32 @!p0 $0x88, s6;
	s7 =	simm.s32 @p2 $0x1082  }
0x22: {  	[simem:s7], [sflag:s8] =	dma.local @!p0 [hbm:s6], $0xF7A  }
0x23: {  	s9 =	sor.u32 $0xD0000000, s2;
	s6 =	simm.s32 $0x108;
	_ =	swait.ge @!p0 [sflag:s8], $0x0  }
0x24: {  	s3 =	sadd.s32 $0x88, s3;
	s6 =	simm.s32 @!p1 $0x1082;
	[sflag:s4] =	ssyncset.s32 $0xFFFFF086  }
0x25: {  	[simem:s6], [sflag:s4] =	dma.local [hbm:s3], $0xF7A  }
0x26: {  	[smem:$0x3F9B] =	sst s1;
	(tag) =	ssettag s2;
	_ =	strace s9  }
0x27: {  	s1 =	sld [smem:$0x3FAB]  }
0x28: {  	s2 =	sld [smem:$0x3FAC]  }
0x29: {  	s4 =	sld [smem:$0x3FAE]  }
0x2a: {  	p0 =	seq.s32 s5, $0x0;
	s5 =	sld [smem:$0x3FAF]  }
0x2b: {  	s6 =	sld [smem:$0x3FB0]  }
0x2c: {  	s7 =	sld [smem:$0x3FB1]  }
0x2d: {  	s3 =	simm.s32 $0x108;
	s8 =	sld [smem:$0x3FB2]  }
0x2e: {  	s3 =	simm.s32 @!p0 $0x1082;
	s9 =	sld [smem:$0x3FB3]  }
0x2f: {  	lr =	sadd.s32 s0, s3;
	s0 =	sld [smem:$0x3FAA]  }
0x30: {  	s3 =	sld [smem:$0x3FAD]  }
0x31: {  	[smem:$0x3FB6] =	sst s10  }
0x32: {  	s10 =	sld [smem:$0x3FB4];
	_ =	sdelay $0x3  }
0x33: {  	p0 =	seq.s32 s10, $0x1;
	s10 =	sld [smem:$0x3FB6];
	_ =	sdelay $0x3  }
0x34: {  	[smem:$0x3FB6] =	sst s10  }
0x35: {  	s10 =	sld [smem:$0x3FB5];
	_ =	sdelay $0x3  }
0x36: {  	p1 =	seq.s32 s10, $0x1;
	s10 =	sld [smem:$0x3FB6];
	_ =	sdelay $0x3  }
0x37: {  	[smem:$0x3FB6] =	sst s10  }
0x38: {  	s10 =	sld [smem:$0x3FB7]  }
0x39: {  	_ = 	snop;
	(pc) =	sbr.ind lr, $3  }
0x3a: {  	_ = 	snop  }
0x3b: {  	_ = 	snop  }
0x3c: {  	p2 =	seq.s32 s10, $0x1;
	s10 =	sld [smem:$0x3FB6]  }
0x3d: {  	_ =	shalt  }
0x3e: {  	_ =	shalt  }
0x3f: {  	_ =	shalt  }
0x40: {  	_ =	shalt  }
0x41: {  	_ =	shalt  }
0x42: {  	_ =	shalt  }
0x43: {  	_ =	shalt  }
0x44: {  	_ =	shalt  }
0x45: {  	_ =	shalt  }
0x46: {  	_ =	shalt  }
0x47: {  	_ =	shalt  }
0x48: {  	_ =	shalt  }
0x49: {  	_ =	shalt  }
0x4a: {  	_ =	shalt  }
0x4b: {  	_ =	shalt  }
0x4c: {  	_ =	shalt  }
0x4d: {  	_ =	shalt  }
0x4e: {  	_ =	shalt  }
0x4f: {  	_ =	shalt  }
0x50: {  	_ =	shalt  }
0x51: {  	_ =	shalt  }
0x52: {  	_ =	shalt  }
0x53: {  	_ =	shalt  }
0x54: {  	_ =	shalt  }
0x55: {  	_ =	shalt  }
0x56: {  	_ =	shalt  }
0x57: {  	_ =	shalt  }
0x58: {  	_ =	shalt  }
0x59: {  	_ =	shalt  }
0x5a: {  	_ =	shalt  }
0x5b: {  	_ =	shalt  }
0x5c: {  	_ =	shalt  }
0x5d: {  	_ =	shalt  }
0x5e: {  	_ =	shalt  }
0x5f: {  	_ =	shalt  }
0x60: {  	_ =	shalt  }
0x61: {  	_ =	shalt  }
0x62: {  	_ =	shalt  }
0x63: {  	_ =	shalt  }
0x64: {  	_ =	shalt  }
0x65: {  	_ =	shalt  }
0x66: {  	_ =	shalt  }
0x67: {  	_ =	shalt  }
0x68: {  	_ =	shalt  }
0x69: {  	_ =	shalt  }
0x6a: {  	_ =	shalt  }
0x6b: {  	_ =	shalt  }
0x6c: {  	_ =	shalt  }
0x6d: {  	_ =	shalt  }
0x6e: {  	_ =	shalt  }
0x6f: {  	_ =	shalt  }
0x70: {  	_ =	shalt  }
0x71: {  	_ =	shalt  }
0x72: {  	_ =	shalt  }
0x73: {  	_ =	shalt  }
0x74: {  	_ =	shalt  }
0x75: {  	_ =	shalt  }
0x76: {  	_ =	shalt  }
0x77: {  	_ =	shalt  }
0x78: {  	_ =	shalt  }
0x79: {  	_ =	shalt  }
0x7a: {  	_ =	shalt  }
0x7b: {  	_ =	shalt  }
0x7c: {  	_ =	shalt  }
0x7d: {  	_ =	shalt  }
0x7e: {  	_ =	shalt  }
0x7f: {  	_ =	shalt  }
0x80: {  	_ =	shalt  }
0x81: {  	_ =	shalt  }
0x82: {  	_ =	shalt  }
0x83: {  	_ =	shalt  }
0x84: {  	_ =	shalt  }
0x85: {  	_ =	shalt  }
0x86: {  	_ =	shalt  }
0x87: {  	_ =	shalt  }
.Lfunc_end0:
.L_simem_size_0:
called_computation.1_lowered:
.L_overlay_start_0:
0x88: {  	s2 =	sld [smem:$0x3FD9]  }
0x89: {  	s3 =	sld [smem:$0x3FFE];
	_ =	sdelay $0x1  }
0x8a: {  	s1 =	srdreg.scid  }
0x8b: {  	s0 =	sand.u32 $0x1, s1  }
0x8c: {  	s17 =	sshll.u32 s0, $0xA;
	s2 =	sadd.s32 s3, s2  }
0x8d: {  	s2 =	sadd.s32 s2, s17  }
0x8e: {  	[smem:$0x3FC2] =	sst s2  }
0x8f: {  	_ = 	snop  }
0x90: {  	s18 =	sld [smem:$0x3FC8];
	(tm) =	ssettm $0x1  }
0x91: {  	s19 =	sld [smem:$0x3FFB];
	_ =	sdelay $0x3  }
0x92: {  	_ =	strace s19  }
0x93: {  	s2 =	sld [smem:$0x3FFC];
	_ =	sdelay $0x3  }
0x94: {  	_ =	strace s2  }
0x95: {  	s2 =	sld [smem:$0x3FFD];
	_ =	sdelay $0x3  }
0x96: {  	_ =	strace s2  }
0x97: {  	_ =	strace $0x8FFFFFFF  }
0x98: {  	s20 =	sld [smem:$0x3FDB];
	_ =	sdelay $0x1  }
0x99: {  	s4 =	simm.s32 $_scs_section_size  }
0x9a: {  	s5 =	simm.s32 $_size__tile_overlayer_lowered;
	s6 =	simm.s32 $_tile_overlayer_lowered  }
0x9b: {  	s7 =	simm.s32 $0x1BFF;
	s21 =	sshll.u32 s6, $0x1;
	s4 =	sadd.s32 s4, s20  }
0x9c: {  	s22 =	simm.s32 $0x0;
	s5 =	sshll.u32 s5, $0x1;
	s6 =	sadd.s32 s21, s4  }
0x9d: {  	[timem:s22], [sflag:s7] =	dma.local [hbm:s6], s5  }
0x9e: {  	_ =	swait.ge [sflag:s7], s5  }
0x9f: {  	s5 =	ssub.s32 $0x0, s5;
	[sflag:s7] =	ssyncset.done $0x0  }
0xa0: {  	[sflag:s7] =	ssyncadd.s32 s5;
	_ =	sdelay $0x1  }
0xa1: {  	s23 =	simm.s32 $0x1B8B  }
0xa2: {  	_ =	swait.ge [sflag:s23], $0x1  }
0xa3: {  	[sflag:s23] =	ssyncset.done $0x0  }
0xa4: {  	[sflag:s23] =	ssyncadd.s32 $0xFFFFFFFF  }
0xa5: {  	s5 =	sld [smem:$0x0]  }
0xa6: {  	s6 =	sand.u32 $0xFFFFFFFE, s1  }
0xa7: {  	p0 =	sne.s32 s1, s6  }
0xa8: {  	s6 =	sshll.u32 @p0 s6, $0xE  }
0xa9: {  	s6 =	sadd.s32 @p0 $0x11B8D, s6;
	s7 =	sshll.u32 @p0 s5, $0x11  }
0xaa: {  	s6 =	sor.u32 @p0 s7, s6  }
0xab: {  	[sflag:s6] =	ssyncadd.remote.s32 @p0 $0x1;
	_ =	sdelay $0x1  }
0xac: {  	s6 =	simm.s32 @p0 $0x1B8D  }
0xad: {  	_ =	swait.eq @p0 [sflag:s6], $0x1  }
0xae: {  	[sflag:s6] =	ssyncadd.s32 @p0 $0xFFFFFFFF  }
0xaf: {  	s7 =	sshll.u32 @!p0 s1, $0xE  }
0xb0: {  	s7 =	sor.u32 @!p0 $0x4000, s7;
	s6 =	simm.s32 @!p0 $0x1B8D  }
0xb1: {  	s5 =	sshll.u32 @!p0 s5, $0x11;
	s7 =	sadd.s32 @!p0 $0x11B8D, s7;
	_ =	swait.eq @!p0 [sflag:s6], $0x1  }
0xb2: {  	s5 =	sor.u32 @!p0 s5, s7;
	[sflag:s6] =	ssyncadd.s32 @!p0 $0xFFFFFFFF  }
0xb3: {  	s25 =	simm.s32 $0x1B8E;
	s24 =	sld [smem:$0x3FFE];
	[sflag:s5] =	ssyncadd.remote.s32 @!p0 $0x1  }
0xb4: {  	s26 =	simm.s32 $execute0_lowered;
	[smem:$0x3FD2] =	sst s25  }
0xb5: {  	s6 =	sshll.u32 s26, $0x1;
	_ =	strace $0x80000049;
	[dreg:$0x1] =	wrdreg $0xFFFFFFFF  }
0xb6: {  	s28 =	simm.s32 $_size_execute0_lowered;
	s4 =	sadd.s32 s4, s6;
	[dreg:$0x0] =	wrdreg $0x0  }
0xb7: {  	s6 =	sshll.u32 s28, $0x1;
	[dreg:$0x2] =	wrdreg s4  }
0xb8: {  	[dreg:$0x3] =	wrdreg s6  }
0xb9: {  	[dreg:$0x4] =	wrdreg $0xC0  }
0xba: {  	_ =	task [dreg:s22], $0x5FFFF  }
0xbb: {  	[dreg:$0x1] =	wrdreg $0xFFFFFFFF  }
0xbc: {  	[dreg:$0x0] =	wrdreg $0x60  }
0xbd: {  	[dreg:$0x2] =	wrdreg s24  }
0xbe: {  	[dreg:$0x3] =	wrdreg s18  }
0xbf: {  	[dreg:$0x4] =	wrdreg $0xA  }
0xc0: {  	_ =	task.clear_ibuf [dreg:s22], $0x5FFFF;
	_ =	strace $0x90000049  }
0xc1: {  	s29 =	simm.s32 $0xA;
	_ =	strace $0x8000004B  }
0xc2: {  	_ =	swait.ge [sflag:s29], $0x1  }
0xc3: {  	[sflag:s29] =	ssyncadd.s32 $0xFFFFFFFF  }
0xc4: {  	_ =	strace $0x9000004B  }
0xc5: {  	_ =	sfence  }
0xc6: {  	s30 =	sld [smem:$0x0];
	_ =	sdelay $0x2  }
0xc7: {  	s31 =	sshll.u32 s1, $0xD;
	s1 =	sshrl.u32 s1, $0x2  }
0xc8: {  	s4 =	sand.u32 $0x4000, s31;
	s1 =	sadd.s32 s1, s30  }
0xc9: {  	s0 =	sor.u32 s4, s0;
	s1 =	sshll.u32 s1, $0x11  }
0xca: {  	s0 =	sor.u32 s1, s0  }
0xcb: {  	s0 =	sadd.s32 $0x8F2B, s0  }
0xcc: {  	[sflag:s0] =	ssyncadd.remote.s32 $0x1  }
0xcd: {  	_ =	sfence.sel $0xFFFF  }
0xce: {  	[dreg:$0x0] =	wrdreg $0xFFFFFFFF;
	(pc) =	sbr.abs _section_cstart, $3  }
0xcf: {  	[dreg:$0x1] =	wrdreg $0xFFFFFFFF  }
0xd0: {  	_ =	task.clear_ibuf [dreg:s22], $0x2FFFF;
	_ =	strace $0x9FFFFFFF  }
0xd1: {  	(tm) =	ssettm $0x7FFFFFFF  }
tec
execute0_lowered:
.L_overlay_start_1:
0x0: {  	(tag) =	ssettag $0x1  }
0x1: {  	s0 =	rddreg [dreg:$0x0]  }
0x2: {  	s2 =	rddreg [dreg:$0x1];
	s1 =	srdreg.scid  }
0x3: {  	s3 =	simm.s32 $0x0;
	s4 =	stileid.u32;
	s24 =	simm.s32 $0x80  }
0x4: {  	s25 =	simm.s32 $0x100;
	s26 =	simm.s32 $0x180;
	s28 =	simm.s32 $0x2200  }
0x5: {  	s29 =	simm.s32 $0x2A00;
	s30 =	simm.s32 $0x3200;
	s31 =	simm.s32 $0x3A00  }
0x6: {  	s12 =	simm.s32 $0x6200;
	s13 =	simm.s32 $0x6A00;
	s14 =	simm.s32 $0x7200  }
0x7: {  	s1 =	sand.u32 $0x1, s1;
	[smem:$0x7FF] =	sst s3;
	s4 =	sshll.u32 s4, $0x8  }
0x8: {  	s6 =	sadd.s32 $0x81400, s0;
	_ =	strace $0x8000004A;
	[dreg:$0xb] =	wrdreg s24  }
0x9: {  	s0 =	sadd.s32 $0x81600, s0;
	s5 =	sshll.u32 s1, $0x7;
	[dreg:$0xc] =	wrdreg s25  }
0xa: {  	s1 =	ssub.s32 $0x2, s1;
	[dreg:$0xd] =	wrdreg s26;
	s25 =	simm.s32 $0x200  }
0xb: {  	s24 =	simm.s32 $0x1200;
	s26 =	simm.s32 $0x1A00;
	s4 =	sor.u32 s5, s4  }
0xc: {  	s7 =	sshrl.u32 s1, $0x1;
	s5 =	sshrl.u32 s4, $0x3;
	s8 =	sor.u32 $0x20, s4  }
0xd: {  	s9 =	sor.u32 $0x40, s4;
	s11 =	sor.u32 $0x60, s4;
	s4 =	sshll.u32 s4, $0x7  }
0xe: {  	s1 =	ssub.s32 s1, s7;
	s5 =	sadd.s32 s6, s5;
	s15 =	sshrl.u32 s8, $0x3  }
0xf: {  	s10 =	sshrl.u32 s9, $0x3;
	s17 =	sshrl.u32 s11, $0x3;
	s4 =	sadd.s32 s0, s4  }
0x10: {  	s19 =	sshll.u32 s8, $0x7;
	s21 =	sshll.u32 s9, $0x7;
	s23 =	sshll.u32 s11, $0x7  }
0x11: {  	s7 =	smax.u32 s1, $0x1;
	s8 =	simm.s32 $0x5;
	[dreg:$0x3] =	wrdreg s5  }
0x12: {  	s1 =	simm.s32 $0x3;
	s5 =	sadd.s32 s6, s15;
	[dreg:$0x7] =	wrdreg s4  }
0x13: {  	s16 =	sadd.s32 s6, s10;
	s18 =	sadd.s32 s6, s17;
	[dreg:$0x4] =	wrdreg s5  }
0x14: {  	s20 =	sadd.s32 s0, s19;
	s22 =	sadd.s32 s0, s21;
	[dreg:$0x5] =	wrdreg s16  }
0x15: {  	s0 =	sadd.s32 s0, s23;
	s4 =	sadd.s32 $0x100, s2;
	[dreg:$0x6] =	wrdreg s18  }
0x16: {  	s6 =	sadd.s32 $0x300, s2;
	s15 =	simm.s32 $0x7A00;
	[dreg:$0x8] =	wrdreg s20  }
0x17: {  	v2 =	vlaneseq.u32;
	s17 =	simm.s32 $0x9200;
	s19 =	simm.s32 $0xA200;
	[dreg:$0x9] =	wrdreg s22  }
0x18: {  	vm0 =	vmmov $0xffff;
	v1 =	vshrl.u32 v2, $0x3;
	s21 =	simm.s32 $0xB200;
	[dreg:$0xa] =	wrdreg s0;
	s5 =	sadd.s32 $0x200, s2  }
0x19: {  	v0 =	vand.u32 $0x7, v2;
	v2 =	vor.u32 $0x8, v2;
	v1 =	vmul.u32 $0x8, v1;
	s16 =	simm.s32 $0x4A00;
	s18 =	simm.s32 $0x8200;
	s20 =	simm.s32 $0xAA00  }
.LBB2_1:
0x1a: {  	s22 =	rddreg [dreg:$0x3]  }
0x1b: {  	[tilespmem:s3], [sflag:$0x5] =	stream.linear.gather [hbm4b:s22+s3], $0x20, $0x38;
	[tilespmem:$0x10200] =	vst v63  }
0x1c: {  	_ =	swait.ge [sflag:s8], $0x20  }
0x1d: {  	s11 =	rddreg [dreg:$0x4];
	[sflag:s8] =	ssyncset.done $0x0  }
0x1e: {  	s23 =	rddreg [dreg:$0xb];
	[sflag:s8] =	ssyncadd.s32 $0xFFFFFFE0  }
0x1f: {  	[tilespmem:s23], [sflag:$0x5] =	stream.linear.gather [hbm4b:s11+s3], $0x20, $0x38;
	[tilespmem:$0x10200] =	vst v63  }
0x20: {  	_ =	swait.ge [sflag:s8], $0x20  }
0x21: {  	s0 =	rddreg [dreg:$0x5];
	[sflag:s8] =	ssyncset.done $0x0  }
0x22: {  	s9 =	rddreg [dreg:$0xc];
	[sflag:s8] =	ssyncadd.s32 $0xFFFFFFE0  }
0x23: {  	[tilespmem:s9], [sflag:$0x5] =	stream.linear.gather [hbm4b:s0+s3], $0x20, $0x38;
	[tilespmem:$0x10200] =	vst v63  }
0x24: {  	_ =	swait.ge [sflag:s8], $0x20  }
0x25: {  	s10 =	rddreg [dreg:$0x6];
	[sflag:s8] =	ssyncset.done $0x0  }
0x26: {  	s11 =	rddreg [dreg:$0xd];
	[sflag:s8] =	ssyncadd.s32 $0xFFFFFFE0  }
0x27: {  	[tilespmem:s11], [sflag:$0x5] =	stream.linear.gather [hbm4b:s10+s3], $0x20, $0x38;
	[tilespmem:$0x10200] =	vst v63  }
0x28: {  	_ =	swait.ge [sflag:s8], $0x20  }
0x29: {  	[sflag:s8] =	ssyncset.done $0x0  }
0x2a: {  	[sflag:s8] =	ssyncadd.s32 $0xFFFFFFE0  }
0x2b: {  	v3 =	vld [tilespmem:$0x0];
	_ =	sdelay $0x4  }
0x2c: {  	v4 =	vshll.u32 v3, $0x3  }
0x2d: {  	v3 =	vand.u32 $0x7, v3;
	v4 =	vand.u32 $0xFFFFFFC0, v4  }
0x2e: {  	v3 =	vor.u32 v3, v4  }
0x2f: {  	v4 =	vperm.xlane v3, v0;
	_ =	sdelay $0x1  }
0x30: {  	v4 =	vadd.s32 v1, v4;
	_ =	sdelay $0x4  }
0x31: {  	[tilespmem:s25], [sflag:$0x1] =	stream.indirect_vreg.gather [hbm4b:s2+s3], $0x80, v4, vm0, $0xb8;
	[tilespmem:$0x10200] =	vst v63  }
0x32: {  	s23 =	simm.s32 $0xA00;
	v3 =	vperm.xlane v3, v2  }
0x33: {  	[tilespmem:s23], [sflag:$0x1] =	stream.indirect_vreg.gather [hbm4b:s4+s3], $0x80, v4, vm0, $0xb8;
	[tilespmem:$0x10200] =	vst v63  }
0x34: {  	v3 =	vadd.s32 v1, v3  }
0x35: {  	[tilespmem:s24], [sflag:$0x1] =	stream.indirect_vreg.gather [hbm4b:s5+s3], $0x80, v4, vm0, $0xb8;
	[tilespmem:$0x10200] =	vst v63  }
0x36: {  	_ = 	snop  }
0x37: {  	[tilespmem:s26], [sflag:$0x1] =	stream.indirect_vreg.gather [hbm4b:s6+s3], $0x80, v4, vm0, $0xb8;
	[tilespmem:$0x10200] =	vst v63  }
0x38: {  	_ = 	snop  }
0x39: {  	[tilespmem:s28], [sflag:$0x1] =	stream.indirect_vreg.gather [hbm4b:s2+s3], $0x80, v3, vm0, $0xb8;
	[tilespmem:$0x10200] =	vst v63  }
0x3a: {  	_ = 	snop  }
0x3b: {  	[tilespmem:s29], [sflag:$0x1] =	stream.indirect_vreg.gather [hbm4b:s4+s3], $0x80, v3, vm0, $0xb8;
	[tilespmem:$0x10200] =	vst v63  }
0x3c: {  	_ = 	snop  }
0x3d: {  	[tilespmem:s30], [sflag:$0x1] =	stream.indirect_vreg.gather [hbm4b:s5+s3], $0x80, v3, vm0, $0xb8;
	[tilespmem:$0x10200] =	vst v63  }
0x3e: {  	_ = 	snop  }
0x3f: {  	[tilespmem:s31], [sflag:$0x1] =	stream.indirect_vreg.gather [hbm4b:s6+s3], $0x80, v3, vm0, $0xb8;
	[tilespmem:$0x10200] =	vst v63  }
0x40: {  	v3 =	vld [tilespmem:$0x10];
	_ =	sdelay $0x4  }
0x41: {  	v57 =	vshll.u32 v3, $0x3  }
0x42: {  	v3 =	vand.u32 $0x7, v3;
	v4 =	vand.u32 $0xFFFFFFC0, v57  }
0x43: {  	v3 =	vor.u32 v3, v4  }
0x44: {  	v4 =	vperm.xlane v3, v0;
	_ =	sdelay $0x1  }
0x45: {  	v4 =	vadd.s32 v1, v4;
	_ =	sdelay $0x3  }
0x46: {  	s9 =	simm.s32 $0x4200  }
0x47: {  	[tilespmem:s9], [sflag:$0x1] =	stream.indirect_vreg.gather [hbm4b:s2+s3], $0x80, v4, vm0, $0xb8;
	[tilespmem:$0x10200] =	vst v63  }
0x48: {  	v3 =	vperm.xlane v3, v2  }
0x49: {  	[tilespmem:s16], [sflag:$0x1] =	stream.indirect_vreg.gather [hbm4b:s4+s3], $0x80, v4, vm0, $0xb8;
	[tilespmem:$0x10200] =	vst v63  }
0x4a: {  	s10 =	simm.s32 $0x5200;
	v3 =	vadd.s32 v1, v3  }
0x4b: {  	[tilespmem:s10], [sflag:$0x1] =	stream.indirect_vreg.gather [hbm4b:s5+s3], $0x80, v4, vm0, $0xb8;
	[tilespmem:$0x10200] =	vst v63  }
0x4c: {  	s11 =	simm.s32 $0x5A00  }
0x4d: {  	[tilespmem:s11], [sflag:$0x1] =	stream.indirect_vreg.gather [hbm4b:s6+s3], $0x80, v4, vm0, $0xb8;
	[tilespmem:$0x10200] =	vst v63  }
0x4e: {  	_ = 	snop  }
0x4f: {  	[tilespmem:s12], [sflag:$0x1] =	stream.indirect_vreg.gather [hbm4b:s2+s3], $0x80, v3, vm0, $0xb8;
	[tilespmem:$0x10200] =	vst v63  }
0x50: {  	_ = 	snop  }
0x51: {  	[tilespmem:s13], [sflag:$0x1] =	stream.indirect_vreg.gather [hbm4b:s4+s3], $0x80, v3, vm0, $0xb8;
	[tilespmem:$0x10200] =	vst v63  }
0x52: {  	_ = 	snop  }
0x53: {  	[tilespmem:s14], [sflag:$0x1] =	stream.indirect_vreg.gather [hbm4b:s5+s3], $0x80, v3, vm0, $0xb8;
	[tilespmem:$0x10200] =	vst v63  }
0x54: {  	_ = 	snop  }
0x55: {  	[tilespmem:s15], [sflag:$0x1] =	stream.indirect_vreg.gather [hbm4b:s6+s3], $0x80, v3, vm0, $0xb8;
	[tilespmem:$0x10200] =	vst v63  }
0x56: {  	v3 =	vld [tilespmem:$0x80];
	_ =	sdelay $0x4  }
0x57: {  	v58 =	vshll.u32 v3, $0x3  }
0x58: {  	v3 =	vand.u32 $0x7, v3;
	v4 =	vand.u32 $0xFFFFFFC0, v58  }
0x59: {  	v3 =	vor.u32 v3, v4  }
0x5a: {  	v4 =	vperm.xlane v3, v0;
	_ =	sdelay $0x1  }
0x5b: {  	v4 =	vadd.s32 v1, v4;
	_ =	sdelay $0x4  }
0x5c: {  	[tilespmem:s18], [sflag:$0x2] =	stream.indirect_vreg.gather [hbm4b:s2+s3], $0x80, v4, vm0, $0xb8;
	[tilespmem:$0x10200] =	vst v63  }
0x5d: {  	s0 =	simm.s32 $0x8A00;
	v3 =	vperm.xlane v3, v2  }
0x5e: {  	[tilespmem:s0], [sflag:$0x2] =	stream.indirect_vreg.gather [hbm4b:s4+s3], $0x80, v4, vm0, $0xb8;
	[tilespmem:$0x10200] =	vst v63  }
0x5f: {  	v3 =	vadd.s32 v1, v3  }
0x60: {  	[tilespmem:s17], [sflag:$0x2] =	stream.indirect_vreg.gather [hbm4b:s5+s3], $0x80, v4, vm0, $0xb8;
	[tilespmem:$0x10200] =	vst v63  }
0x61: {  	s22 =	simm.s32 $0x9A00  }
0x62: {  	[tilespmem:s22], [sflag:$0x2] =	stream.indirect_vreg.gather [hbm4b:s6+s3], $0x80, v4, vm0, $0xb8;
	[tilespmem:$0x10200] =	vst v63  }
0x63: {  	_ = 	snop  }
0x64: {  	[tilespmem:s19], [sflag:$0x2] =	stream.indirect_vreg.gather [hbm4b:s2+s3], $0x80, v3, vm0, $0xb8;
	[tilespmem:$0x10200] =	vst v63  }
0x65: {  	_ = 	snop  }
0x66: {  	[tilespmem:s20], [sflag:$0x2] =	stream.indirect_vreg.gather [hbm4b:s4+s3], $0x80, v3, vm0, $0xb8;
	[tilespmem:$0x10200] =	vst v63  }
0x67: {  	_ = 	snop  }
0x68: {  	[tilespmem:s21], [sflag:$0x2] =	stream.indirect_vreg.gather [hbm4b:s5+s3], $0x80, v3, vm0, $0xb8;
	[tilespmem:$0x10200] =	vst v63  }
0x69: {  	s22 =	simm.s32 $0xBA00  }
0x6a: {  	[tilespmem:s22], [sflag:$0x2] =	stream.indirect_vreg.gather [hbm4b:s6+s3], $0x80, v3, vm0, $0xb8;
	[tilespmem:$0x10200] =	vst v63  }
0x6b: {  	v3 =	vld [tilespmem:$0x90];
	_ =	sdelay $0x4  }
0x6c: {  	v59 =	vshll.u32 v3, $0x3  }
0x6d: {  	v3 =	vand.u32 $0x7, v3;
	v4 =	vand.u32 $0xFFFFFFC0, v59  }
0x6e: {  	v3 =	vor.u32 v3, v4  }
0x6f: {  	v4 =	vperm.xlane v3, v0;
	_ =	sdelay $0x1  }
0x70: {  	v4 =	vadd.s32 v1, v4;
	_ =	sdelay $0x3  }
0x71: {  	s22 =	simm.s32 $0xC200  }
0x72: {  	[tilespmem:s22], [sflag:$0x2] =	stream.indirect_vreg.gather [hbm4b:s2+s3], $0x80, v4, vm0, $0xb8;
	[tilespmem:$0x10200] =	vst v63  }
0x73: {  	v3 =	vperm.xlane v3, v2;
	s22 =	simm.s32 $0xCA00  }
0x74: {  	[tilespmem:s22], [sflag:$0x2] =	stream.indirect_vreg.gather [hbm4b:s4+s3], $0x80, v4, vm0, $0xb8;
	[tilespmem:$0x10200] =	vst v63  }
0x75: {  	v3 =	vadd.s32 v1, v3;
	s22 =	simm.s32 $0xD200  }
0x76: {  	[tilespmem:s22], [sflag:$0x2] =	stream.indirect_vreg.gather [hbm4b:s5+s3], $0x80, v4, vm0, $0xb8;
	[tilespmem:$0x10200] =	vst v63  }
0x77: {  	s22 =	simm.s32 $0xDA00  }
0x78: {  	[tilespmem:s22], [sflag:$0x2] =	stream.indirect_vreg.gather [hbm4b:s6+s3], $0x80, v4, vm0, $0xb8;
	[tilespmem:$0x10200] =	vst v63  }
0x79: {  	s22 =	simm.s32 $0xE200  }
0x7a: {  	[tilespmem:s22], [sflag:$0x2] =	stream.indirect_vreg.gather [hbm4b:s2+s3], $0x80, v3, vm0, $0xb8;
	[tilespmem:$0x10200] =	vst v63  }
0x7b: {  	s22 =	simm.s32 $0xEA00  }
0x7c: {  	[tilespmem:s22], [sflag:$0x2] =	stream.indirect_vreg.gather [hbm4b:s4+s3], $0x80, v3, vm0, $0xb8;
	[tilespmem:$0x10200] =	vst v63  }
0x7d: {  	s22 =	simm.s32 $0xF200  }
0x7e: {  	[tilespmem:s22], [sflag:$0x2] =	stream.indirect_vreg.gather [hbm4b:s5+s3], $0x80, v3, vm0, $0xb8;
	[tilespmem:$0x10200] =	vst v63  }
0x7f: {  	s0 =	simm.s32 $0x1;
	s22 =	simm.s32 $0xFA00  }
0x80: {  	[tilespmem:s22], [sflag:$0x2] =	stream.indirect_vreg.gather [hbm4b:s6+s3], $0x80, v3, vm0, $0xb8;
	[tilespmem:$0x10200] =	vst v63  }
0x81: {  	_ =	swait.ge [sflag:s0], $0x8000  }
0x82: {  	[sflag:s0] =	ssyncset.done $0x0  }
0x83: {  	s22 =	rddreg [dreg:$0x7];
	[sflag:s0] =	ssyncadd.s32 $0xFFFF8000  }
0x84: {  	[hbm4b:s22+s3] =	stream.linear.scatter [tilespmem:s25], [sflag:$0x3], $0x8000, $0x38;
	[tilespmem:$0x10200] =	vst v63  }
0x85: {  	_ =	swait.ge [sflag:s1], $0x8000  }
0x86: {  	[sflag:s1] =	ssyncset.done $0x0  }
0x87: {  	[sflag:s1] =	ssyncadd.s32 $0xFFFF8000  }
0x88: {  	v3 =	vld [tilespmem:$0x100];
	_ =	sdelay $0x4  }
0x89: {  	v60 =	vshll.u32 v3, $0x3  }
0x8a: {  	v3 =	vand.u32 $0x7, v3;
	v4 =	vand.u32 $0xFFFFFFC0, v60  }
0x8b: {  	v3 =	vor.u32 v3, v4  }
0x8c: {  	v4 =	vperm.xlane v3, v0;
	_ =	sdelay $0x1  }
0x8d: {  	v4 =	vadd.s32 v1, v4;
	_ =	sdelay $0x4  }
0x8e: {  	[tilespmem:s25], [sflag:$0x1] =	stream.indirect_vreg.gather [hbm4b:s2+s3], $0x80, v4, vm0, $0xb8;
	[tilespmem:$0x10200] =	vst v63  }
0x8f: {  	v3 =	vperm.xlane v3, v2  }
0x90: {  	[tilespmem:s23], [sflag:$0x1] =	stream.indirect_vreg.gather [hbm4b:s4+s3], $0x80, v4, vm0, $0xb8;
	[tilespmem:$0x10200] =	vst v63  }
0x91: {  	v3 =	vadd.s32 v1, v3  }
0x92: {  	[tilespmem:s24], [sflag:$0x1] =	stream.indirect_vreg.gather [hbm4b:s5+s3], $0x80, v4, vm0, $0xb8;
	[tilespmem:$0x10200] =	vst v63  }
0x93: {  	_ = 	snop  }
0x94: {  	[tilespmem:s26], [sflag:$0x1] =	stream.indirect_vreg.gather [hbm4b:s6+s3], $0x80, v4, vm0, $0xb8;
	[tilespmem:$0x10200] =	vst v63  }
0x95: {  	_ = 	snop  }
0x96: {  	[tilespmem:s28], [sflag:$0x1] =	stream.indirect_vreg.gather [hbm4b:s2+s3], $0x80, v3, vm0, $0xb8;
	[tilespmem:$0x10200] =	vst v63  }
0x97: {  	_ = 	snop  }
0x98: {  	[tilespmem:s29], [sflag:$0x1] =	stream.indirect_vreg.gather [hbm4b:s4+s3], $0x80, v3, vm0, $0xb8;
	[tilespmem:$0x10200] =	vst v63  }
0x99: {  	_ = 	snop  }
0x9a: {  	[tilespmem:s30], [sflag:$0x1] =	stream.indirect_vreg.gather [hbm4b:s5+s3], $0x80, v3, vm0, $0xb8;
	[tilespmem:$0x10200] =	vst v63  }
0x9b: {  	_ = 	snop  }
0x9c: {  	[tilespmem:s31], [sflag:$0x1] =	stream.indirect_vreg.gather [hbm4b:s6+s3], $0x80, v3, vm0, $0xb8;
	[tilespmem:$0x10200] =	vst v63  }
0x9d: {  	v3 =	vld [tilespmem:$0x110];
	_ =	sdelay $0x4  }
0x9e: {  	v61 =	vshll.u32 v3, $0x3  }
0x9f: {  	v3 =	vand.u32 $0x7, v3;
	v4 =	vand.u32 $0xFFFFFFC0, v61  }
0xa0: {  	v3 =	vor.u32 v3, v4  }
0xa1: {  	v4 =	vperm.xlane v3, v0;
	_ =	sdelay $0x1  }
0xa2: {  	v4 =	vadd.s32 v1, v4;
	_ =	sdelay $0x4  }
0xa3: {  	[tilespmem:s9], [sflag:$0x1] =	stream.indirect_vreg.gather [hbm4b:s2+s3], $0x80, v4, vm0, $0xb8;
	[tilespmem:$0x10200] =	vst v63  }
0xa4: {  	v3 =	vperm.xlane v3, v2  }
0xa5: {  	[tilespmem:s16], [sflag:$0x1] =	stream.indirect_vreg.gather [hbm4b:s4+s3], $0x80, v4, vm0, $0xb8;
	[tilespmem:$0x10200] =	vst v63  }
0xa6: {  	v3 =	vadd.s32 v1, v3  }
0xa7: {  	[tilespmem:s10], [sflag:$0x1] =	stream.indirect_vreg.gather [hbm4b:s5+s3], $0x80, v4, vm0, $0xb8;
	[tilespmem:$0x10200] =	vst v63  }
0xa8: {  	_ = 	snop  }
0xa9: {  	[tilespmem:s11], [sflag:$0x1] =	stream.indirect_vreg.gather [hbm4b:s6+s3], $0x80, v4, vm0, $0xb8;
	[tilespmem:$0x10200] =	vst v63  }
0xaa: {  	_ = 	snop  }
0xab: {  	[tilespmem:s12], [sflag:$0x1] =	stream.indirect_vreg.gather [hbm4b:s2+s3], $0x80, v3, vm0, $0xb8;
	[tilespmem:$0x10200] =	vst v63  }
0xac: {  	_ = 	snop  }
0xad: {  	[tilespmem:s13], [sflag:$0x1] =	stream.indirect_vreg.gather [hbm4b:s4+s3], $0x80, v3, vm0, $0xb8;
	[tilespmem:$0x10200] =	vst v63  }
0xae: {  	_ = 	snop  }
0xaf: {  	[tilespmem:s14], [sflag:$0x1] =	stream.indirect_vreg.gather [hbm4b:s5+s3], $0x80, v3, vm0, $0xb8;
	[tilespmem:$0x10200] =	vst v63  }
0xb0: {  	s9 =	simm.s32 $0x2  }
0xb1: {  	[tilespmem:s15], [sflag:$0x1] =	stream.indirect_vreg.gather [hbm4b:s6+s3], $0x80, v3, vm0, $0xb8;
	[tilespmem:$0x10200] =	vst v63  }
0xb2: {  	_ =	swait.ge [sflag:s9], $0x8000  }
0xb3: {  	[sflag:s9] =	ssyncset.done $0x0  }
0xb4: {  	s10 =	simm.s32 $0x4;
	s11 =	rddreg [dreg:$0x8];
	[sflag:s9] =	ssyncadd.s32 $0xFFFF8000  }
0xb5: {  	[hbm4b:s11+s3] =	stream.linear.scatter [tilespmem:s18], [sflag:$0x4], $0x8000, $0x38;
	[tilespmem:$0x10200] =	vst v63  }
0xb6: {  	_ =	swait.ge [sflag:s10], $0x8000  }
0xb7: {  	[sflag:s10] =	ssyncset.done $0x0  }
0xb8: {  	[sflag:s10] =	ssyncadd.s32 $0xFFFF8000  }
0xb9: {  	v3 =	vld [tilespmem:$0x180];
	_ =	sdelay $0x4  }
0xba: {  	v62 =	vshll.u32 v3, $0x3  }
0xbb: {  	v3 =	vand.u32 $0x7, v3;
	v4 =	vand.u32 $0xFFFFFFC0, v62  }
0xbc: {  	v3 =	vor.u32 v3, v4  }
0xbd: {  	v4 =	vperm.xlane v3, v0;
	_ =	sdelay $0x1  }
0xbe: {  	v4 =	vadd.s32 v1, v4;
	_ =	sdelay $0x4  }
0xbf: {  	[tilespmem:s18], [sflag:$0x2] =	stream.indirect_vreg.gather [hbm4b:s2+s3], $0x80, v4, vm0, $0xb8;
	[tilespmem:$0x10200] =	vst v63  }
0xc0: {  	s23 =	simm.s32 $0x8A00;
	v3 =	vperm.xlane v3, v2  }
0xc1: {  	[tilespmem:s23], [sflag:$0x2] =	stream.indirect_vreg.gather [hbm4b:s4+s3], $0x80, v4, vm0, $0xb8;
	[tilespmem:$0x10200] =	vst v63  }
0xc2: {  	v3 =	vadd.s32 v1, v3  }
0xc3: {  	[tilespmem:s17], [sflag:$0x2] =	stream.indirect_vreg.gather [hbm4b:s5+s3], $0x80, v4, vm0, $0xb8;
	[tilespmem:$0x10200] =	vst v63  }
0xc4: {  	s22 =	simm.s32 $0x9A00  }
0xc5: {  	[tilespmem:s22], [sflag:$0x2] =	stream.indirect_vreg.gather [hbm4b:s6+s3], $0x80, v4, vm0, $0xb8;
	[tilespmem:$0x10200] =	vst v63  }
0xc6: {  	_ = 	snop  }
0xc7: {  	[tilespmem:s19], [sflag:$0x2] =	stream.indirect_vreg.gather [hbm4b:s2+s3], $0x80, v3, vm0, $0xb8;
	[tilespmem:$0x10200] =	vst v63  }
0xc8: {  	_ = 	snop  }
0xc9: {  	[tilespmem:s20], [sflag:$0x2] =	stream.indirect_vreg.gather [hbm4b:s4+s3], $0x80, v3, vm0, $0xb8;
	[tilespmem:$0x10200] =	vst v63  }
0xca: {  	_ = 	snop  }
0xcb: {  	[tilespmem:s21], [sflag:$0x2] =	stream.indirect_vreg.gather [hbm4b:s5+s3], $0x80, v3, vm0, $0xb8;
	[tilespmem:$0x10200] =	vst v63  }
0xcc: {  	s23 =	simm.s32 $0xBA00  }
0xcd: {  	[tilespmem:s23], [sflag:$0x2] =	stream.indirect_vreg.gather [hbm4b:s6+s3], $0x80, v3, vm0, $0xb8;
	[tilespmem:$0x10200] =	vst v63  }
0xce: {  	v3 =	vld [tilespmem:$0x190];
	_ =	sdelay $0x4  }
0xcf: {  	v63 =	vshll.u32 v3, $0x3  }
0xd0: {  	v3 =	vand.u32 $0x7, v3;
	v4 =	vand.u32 $0xFFFFFFC0, v63  }
0xd1: {  	v3 =	vor.u32 v3, v4  }
0xd2: {  	v4 =	vperm.xlane v3, v0;
	_ =	sdelay $0x1  }
0xd3: {  	v4 =	vadd.s32 v1, v4;
	_ =	sdelay $0x3  }
0xd4: {  	s22 =	simm.s32 $0xC200  }
0xd5: {  	[tilespmem:s22], [sflag:$0x2] =	stream.indirect_vreg.gather [hbm4b:s2+s3], $0x80, v4, vm0, $0xb8;
	[tilespmem:$0x10200] =	vst v63  }
0xd6: {  	s23 =	simm.s32 $0xCA00;
	v3 =	vperm.xlane v3, v2  }
0xd7: {  	[tilespmem:s23], [sflag:$0x2] =	stream.indirect_vreg.gather [hbm4b:s4+s3], $0x80, v4, vm0, $0xb8;
	[tilespmem:$0x10200] =	vst v63  }
0xd8: {  	v3 =	vadd.s32 v1, v3;
	s22 =	simm.s32 $0xD200  }
0xd9: {  	[tilespmem:s22], [sflag:$0x2] =	stream.indirect_vreg.gather [hbm4b:s5+s3], $0x80, v4, vm0, $0xb8;
	[tilespmem:$0x10200] =	vst v63  }
0xda: {  	s23 =	simm.s32 $0xDA00  }
0xdb: {  	[tilespmem:s23], [sflag:$0x2] =	stream.indirect_vreg.gather [hbm4b:s6+s3], $0x80, v4, vm0, $0xb8;
	[tilespmem:$0x10200] =	vst v63  }
0xdc: {  	s22 =	simm.s32 $0xE200  }
0xdd: {  	[tilespmem:s22], [sflag:$0x2] =	stream.indirect_vreg.gather [hbm4b:s2+s3], $0x80, v3, vm0, $0xb8;
	[tilespmem:$0x10200] =	vst v63  }
0xde: {  	s23 =	simm.s32 $0xEA00  }
0xdf: {  	[tilespmem:s23], [sflag:$0x2] =	stream.indirect_vreg.gather [hbm4b:s4+s3], $0x80, v3, vm0, $0xb8;
	[tilespmem:$0x10200] =	vst v63  }
0xe0: {  	s22 =	simm.s32 $0xF200  }
0xe1: {  	[tilespmem:s22], [sflag:$0x2] =	stream.indirect_vreg.gather [hbm4b:s5+s3], $0x80, v3, vm0, $0xb8;
	[tilespmem:$0x10200] =	vst v63  }
0xe2: {  	s23 =	simm.s32 $0xFA00  }
0xe3: {  	[tilespmem:s23], [sflag:$0x2] =	stream.indirect_vreg.gather [hbm4b:s6+s3], $0x80, v3, vm0, $0xb8;
	[tilespmem:$0x10200] =	vst v63  }
0xe4: {  	_ =	swait.ge [sflag:s0], $0x8000  }
0xe5: {  	[sflag:s0] =	ssyncset.done $0x0  }
0xe6: {  	s11 =	rddreg [dreg:$0x9];
	[sflag:s0] =	ssyncadd.s32 $0xFFFF8000  }
0xe7: {  	[hbm4b:s11+s3] =	stream.linear.scatter [tilespmem:s25], [sflag:$0x3], $0x8000, $0x38;
	[tilespmem:$0x10200] =	vst v63  }
0xe8: {  	_ =	swait.ge [sflag:s9], $0x8000  }
0xe9: {  	[sflag:s9] =	ssyncset.done $0x0  }
0xea: {  	s23 =	rddreg [dreg:$0xa];
	[sflag:s9] =	ssyncadd.s32 $0xFFFF8000  }
0xeb: {  	[hbm4b:s23+s3] =	stream.linear.scatter [tilespmem:s18], [sflag:$0x4], $0x8000, $0x38;
	[tilespmem:$0x10200] =	vst v63  }
0xec: {  	p0 =	sne.s32 s7, $0x1;
	_ =	swait.ge [sflag:s1], $0x8000  }
.Ltmp0:
0xed: {  	[sflag:s1] =	ssyncset.done $0x0;
	(pc) =	sbr.rel @p0 .LBB2_1-.Ltmp0, $4  }
0xee: {  	[sflag:s1] =	ssyncadd.s32 $0xFFFF8000  }
0xef: {  	_ =	swait.ge [sflag:s10], $0x8000  }
0xf0: {  	[sflag:s10] =	ssyncset.done $0x0  }
0xf1: {  	s7 =	sadd.s32 $0xFFFFFFFF, s7;
	[sflag:s10] =	ssyncadd.s32 $0xFFFF8000  }
0xf2: {  	_ =	sfence.sel $0x180000  }
0xf3: {  	[bflag:$0x0] =	sbarrier.arrive $0xFFFF  }
0xf4: {  	_ =	strace $0x9000004A  }
0xf5: {  	s0 =	stileid.u32;
	[bflag:$0x2] =	sbarrier.arrive $0xFFFF  }
0xf6: {  	p0 =	sne.s32 s0, $0x0;
	s0 =	rddreg [dreg:$0x2]  }
0xf7: {  	s0 =	sadd.s32 @!p0 $0x100000, s0  }
0xf8: {  	[sflag:s0] =	ssyncadd.tile.s32 @!p0 $0x1;
	_ =	shalt  }
.Lfunc_end2:
_tile_overlayer_lowered:
.L_overlay_start_2:
0xf9: {  	(tag) =	ssettag $0x2  }
0xfa: {  	s0 =	rddreg [dreg:$0x0];
	s2 =	stileid.u32  }
0xfb: {  	s1 =	rddreg [dreg:$0x1];
	p0 =	sne.s32 s2, $0x0  }
0xfc: {  	s3 =	rddreg [dreg:$0x2];
	[bflag:$0x3] =	sbarrier.arrive $0xFFFF;
	s2 =	simm.s32 @!p0 $0x1C05  }
0xfd: {  	[timem:s3], [sflag:s2] =	dma.local @!p0 [hbm:s0], s1  }
0xfe: {  	s0 =	simm.s32 @!p0 $0x5  }
0xff: {  	_ =	swait.ge @!p0 [sflag:s0], s1  }
0x100: {  	s1 =	ssub.s32 @!p0 $0x0, s1;
	[sflag:s0] =	ssyncset.done @!p0 $0x0  }
0x101: {  	[sflag:s0] =	ssyncadd.s32 @!p0 s1  }
0x102: {  	[bflag:$0x3] =	sbarrier.arrive $0xFFFF  }
0x103: {  	_ =	shalt  }

</sc_bundles>
